<compile_context>
chip_gen: v7x
topology: tpu7x:2x2x1
jax: 0.10.2.dev20260603
libtpu: 0.0.44.dev20260713+nightly
codegen_flags: <defaults>
</compile_context>

<pallas_src>
import jax
import jax.numpy as jnp
from jax.experimental import pallas as pl
from jax.experimental.pallas import tpu as pltpu
from jax.experimental.pallas import tpu_sc as plsc

_BR = 32
_BC = 128


def kernel(x, pos_emb):
    B, T, D = x.shape
    N = T * D
    xt = x.transpose(1, 2, 0).reshape(N, B)
    pe_b = jnp.broadcast_to(pos_emb.reshape(N)[:, None], (N, _BC))

    mesh = plsc.VectorSubcoreMesh(core_axis_name="core",
                                  subcore_axis_name="subcore")

    @pl.kernel(out_type=jax.ShapeDtypeStruct((N, B), x.dtype), mesh=mesh)
    def sc_add(x_hbm, pe_hbm, o_hbm):
        def body(x_vmem, pe_vmem, o_vmem):
            @pl.loop(0, _BR)
            def _(r):
                @pl.loop(0, _BC, step=16)
                def _(c):
                    slc = (pl.ds(r, 1), pl.ds(c, 16))
                    o_vmem.at[*slc][...] = (
                        x_vmem.at[*slc][...] + pe_vmem.at[*slc][...]
                    )

        pltpu.emit_pipeline(
            body,
            grid=(N // _BR, B // _BC),
            in_specs=[
                pl.BlockSpec((_BR, _BC), index_map=lambda i, j: (i, j)),
                pl.BlockSpec((_BR, _BC), index_map=lambda i, j: (i, 0)),
            ],
            out_specs=[pl.BlockSpec((_BR, _BC), index_map=lambda i, j: (i, j))],
            core_axis_name=("core", "subcore"),
            dimension_semantics=(pltpu.PARALLEL, pltpu.PARALLEL),
        )(x_hbm, pe_hbm, o_hbm)

    out = sc_add(xt, pe_b)
    return out.reshape(T, D, B).transpose(2, 0, 1)

# --- scband reference (transcript-rebuilt; emitter-appended) ---
"""Pipeline reference for scband-learnable-positional-encoding-57999238365387 (READ-ONLY COPY).

The authoritative reference and input builder live on the scoring server;
editing this copy changes nothing except your own understanding.
"""

import jax, jax.numpy as jnp
import numpy as np


def setup_inputs(seed: int = 0) -> dict:
    key = jax.random.key(seed)
    k1, k2 = jax.random.split(key)
    x = jax.random.normal(k1, (4096, 200, 64), dtype=jnp.float32)
    pos_emb = jax.random.normal(k2, (200, 64), dtype=jnp.float32)
    return {"x": x, "pos_emb": pos_emb}


def reference(x, pos_emb):
    T = x.shape[1]
    positions = jnp.arange(T)
    pe = jnp.take(pos_emb, positions, axis=0)  # [T, D]
    return x + pe[None, :, :]

if __name__ == "__main__":
    import jax
    _d = setup_inputs()
    print(jax.jit(kernel)(*tuple(_d.values())))

</pallas_src>

<mosaic_0001>
#map = affine_map<(d0, d1) -> (0, 0)>
module attributes {stable_mosaic.version = 14 : i64} {
  func.func @sc_add(%arg0: i32, %arg1: i32, %arg2: memref<12800x4096xf32, #tpu.memory_space<hbm>>, %arg3: memref<12800x128xf32, #tpu.memory_space<hbm>>, %arg4: memref<12800x4096xf32, #tpu.memory_space<hbm>>) attributes {dimension_semantics = [#tpu.dimension_semantics<core_parallel>, #tpu.dimension_semantics<subcore_parallel>], iteration_bounds = array<i64: 2, 16>, scalar_prefetch = 0 : i64, scratch_operands = 0 : i64, tpu.core_type = #tpu.core_type<sc_vector_subcore>, window_params = [{transform_indices = #map}, {transform_indices = #map}, {transform_indices = #map}]} {
    %mul3A = arith.constant 1 : i32
    %mul3A_0 = arith.muli %arg1, %mul3A : i32
    %add3A = arith.constant 0 : i32
    %add3A_1 = arith.addi %add3A, %mul3A_0 : i32
    %mul3A_2 = arith.constant 16 : i32
    %mul3A_3 = arith.muli %arg0, %mul3A_2 : i32
    %add3A_4 = arith.addi %add3A_1, %mul3A_3 : i32
    %mul3A_5 = arith.constant 1 : i32
    %mul3A_6 = arith.muli %add3A_4, %mul3A_5 : i32
    "tpu.region"() ({
      %run_scoped3A = memref.alloca() : memref<2x32x128xf32, #tpu.memory_space<vmem>>
      %run_scoped3A_7 = tpu.sem_alloc : memref<2x!tpu.dma_semaphore, #tpu.memory_space<semaphore_mem>>
      %run_scoped3A_8 = memref.alloca() : memref<2x32x128xf32, #tpu.memory_space<vmem>>
      %run_scoped3A_9 = tpu.sem_alloc : memref<2x!tpu.dma_semaphore, #tpu.memory_space<semaphore_mem>>
      %run_scoped3A_10 = memref.alloca() : memref<2x32x128xf32, #tpu.memory_space<vmem>>
      %run_scoped3A_11 = tpu.sem_alloc : memref<2x!tpu.dma_semaphore, #tpu.memory_space<semaphore_mem>>
      %add3A_12 = arith.constant 0 : i32
      %add3A_13 = arith.addi %add3A_12, %mul3A_6 : i32
      %select_n3A = arith.constant true
      %select_n3A_14 = arith.constant 0 : i32
      %select_n3A_15 = arith.constant -1 : i32
      %select_n3A_16 = arith.select %select_n3A, %select_n3A_15, %select_n3A_14 : i32
      %eq3A = arith.constant -1 : i32
      %eq3A_17 = arith.cmpi eq, %select_n3A_16, %eq3A : i32
      %select_n3A_18 = arith.constant 0 : i32
      %select_n3A_19 = arith.select %eq3A_17, %select_n3A_18, %select_n3A_16 : i32
      %select_n3A_20 = arith.constant 0 : i32
      %select_n3A_21 = arith.constant -1 : i32
      %select_n3A_22 = arith.select %eq3A_17, %select_n3A_21, %select_n3A_20 : i32
      %eq3A_23 = arith.constant -1 : i32
      %eq3A_24 = arith.cmpi eq, %select_n3A_22, %eq3A_23 : i32
      %select_n3A_25 = arith.constant 399 : i32
      %select_n3A_26 = arith.select %eq3A_24, %select_n3A_25, %select_n3A_22 : i32
      %add3A_27 = arith.constant 0 : i32
      %add3A_28 = arith.addi %select_n3A_26, %add3A_27 : i32
      %add3A_29 = arith.constant 0 : i32
      %add3A_30 = arith.addi %add3A_29, %mul3A_6 : i32
      %select_n3A_31 = arith.constant true
      %select_n3A_32 = arith.constant 0 : i32
      %select_n3A_33 = arith.constant 1 : i32
      %select_n3A_34 = arith.select %select_n3A_31, %select_n3A_33, %select_n3A_32 : i32
      %eq3A_35 = arith.constant 1 : i32
      %eq3A_36 = arith.cmpi eq, %select_n3A_34, %eq3A_35 : i32
      %select_n3A_37 = arith.constant 0 : i32
      %select_n3A_38 = arith.select %eq3A_36, %select_n3A_37, %select_n3A_34 : i32
      %select_n3A_39 = arith.constant 0 : i32
      %select_n3A_40 = arith.constant 1 : i32
      %select_n3A_41 = arith.select %eq3A_36, %select_n3A_40, %select_n3A_39 : i32
      %eq3A_42 = arith.constant 400 : i32
      %eq3A_43 = arith.cmpi eq, %select_n3A_41, %eq3A_42 : i32
      %select_n3A_44 = arith.constant 0 : i32
      %select_n3A_45 = arith.select %eq3A_43, %select_n3A_44, %select_n3A_41 : i32
      %add3A_46 = arith.constant 0 : i32
      %add3A_47 = arith.addi %select_n3A_45, %add3A_46 : i32
      %add3A_48 = arith.constant 0 : i32
      %add3A_49 = arith.addi %add3A_48, %mul3A_6 : i32
      %select_n3A_50 = arith.constant true
      %select_n3A_51 = arith.constant 0 : i32
      %select_n3A_52 = arith.constant 1 : i32
      %select_n3A_53 = arith.select %select_n3A_50, %select_n3A_52, %select_n3A_51 : i32
      %eq3A_54 = arith.constant 1 : i32
      %eq3A_55 = arith.cmpi eq, %select_n3A_53, %eq3A_54 : i32
      %select_n3A_56 = arith.constant 0 : i32
      %select_n3A_57 = arith.select %eq3A_55, %select_n3A_56, %select_n3A_53 : i32
      %add3A_58 = arith.constant 1 : i32
      %add3A_59 = arith.addi %select_n3A_45, %add3A_58 : i32
      %select_n3A_60 = arith.select %eq3A_55, %add3A_59, %select_n3A_45 : i32
      %eq3A_61 = arith.constant 400 : i32
      %eq3A_62 = arith.cmpi eq, %select_n3A_60, %eq3A_61 : i32
      %select_n3A_63 = arith.constant 0 : i32
      %select_n3A_64 = arith.select %eq3A_62, %select_n3A_63, %select_n3A_60 : i32
      %add3A_65 = arith.constant 0 : i32
      %add3A_66 = arith.addi %select_n3A_64, %add3A_65 : i32
      %add3A_67 = arith.constant 0 : i32
      %add3A_68 = arith.addi %add3A_67, %mul3A_6 : i32
      "tpu.trace_start"() <{level = 10 : i32, message = "ep_initialize_0"}> : () -> ()
      %rem3A = arith.constant 0 : i32
      %rem3A_69 = arith.constant 2 : i32
      %rem3A_70 = arith.remui %rem3A, %rem3A_69 : i32
      %mul3A_71 = arith.constant 128 : i32
      %mul3A_72 = arith.muli %mul3A_71, %add3A_13 : i32
      %dma_start3A = arith.constant 0 : i32
      %dma_start3A_73 = arith.constant 0 : i32
      %dma_start3A_74 = tpu.memref_slice %run_scoped3A[%rem3A_70, %dma_start3A, %dma_start3A_73] : memref<2x32x128xf32, #tpu.memory_space<vmem>> -> memref<1x32x128xf32, #tpu.memory_space<vmem>>
      %dma_start3A_75 = tpu.memref_squeeze %dma_start3A_74 : memref<1x32x128xf32, #tpu.memory_space<vmem>> -> memref<32x128xf32, #tpu.memory_space<vmem>>
      %dma_start3A_76 = arith.constant 0 : i32
      %dma_start3A_77 = tpu.memref_slice %arg2[%dma_start3A_76, %mul3A_72] : memref<12800x4096xf32, #tpu.memory_space<hbm>> -> memref<32x128xf32, #tpu.memory_space<hbm>>
      %dma_start3A_78 = tpu.memref_slice %run_scoped3A_7[%rem3A_70] : memref<2x!tpu.dma_semaphore, #tpu.memory_space<semaphore_mem>> -> memref<1x!tpu.dma_semaphore, #tpu.memory_space<semaphore_mem>>
      %dma_start3A_79 = tpu.memref_squeeze %dma_start3A_78 : memref<1x!tpu.dma_semaphore, #tpu.memory_space<semaphore_mem>> -> memref<!tpu.dma_semaphore, #tpu.memory_space<semaphore_mem>>
      %dma_start3A_80 = arith.constant 0 : i32
      %dma_start3A_81 = arith.constant 0 : i32
      %dma_start3A_82 = tpu.memref_slice %run_scoped3A[%rem3A_70, %dma_start3A_80, %dma_start3A_81] : memref<2x32x128xf32, #tpu.memory_space<vmem>> -> memref<1x32x128xf32, #tpu.memory_space<vmem>>
      %dma_start3A_83 = tpu.memref_squeeze %dma_start3A_82 : memref<1x32x128xf32, #tpu.memory_space<vmem>> -> memref<32x128xf32, #tpu.memory_space<vmem>>
      %dma_start3A_84 = arith.constant 0 : i32
      %dma_start3A_85 = tpu.memref_slice %arg2[%dma_start3A_84, %mul3A_72] : memref<12800x4096xf32, #tpu.memory_space<hbm>> -> memref<32x128xf32, #tpu.memory_space<hbm>>
      tpu.enqueue_dma source(%dma_start3A_85 : memref<32x128xf32, #tpu.memory_space<hbm>>) target(%dma_start3A_83 : memref<32x128xf32, #tpu.memory_space<vmem>>) target_semaphore(%dma_start3A_79 : memref<!tpu.dma_semaphore, #tpu.memory_space<semaphore_mem>>)
      %add3A_86 = arith.constant 0 : i32
      %add3A_87 = arith.constant 1 : i32
      %add3A_88 = arith.addi %add3A_86, %add3A_87 : i32
      %select_n3A_89 = arith.constant true
      %select_n3A_90 = arith.constant 0 : i32
      %select_n3A_91 = arith.select %select_n3A_89, %add3A_88, %select_n3A_90 : i32
      %rem3A_92 = arith.constant 0 : i32
      %rem3A_93 = arith.constant 2 : i32
      %rem3A_94 = arith.remui %rem3A_92, %rem3A_93 : i32
      %dma_start3A_95 = arith.constant 0 : i32
      %dma_start3A_96 = arith.constant 0 : i32
      %dma_start3A_97 = tpu.memref_slice %run_scoped3A_8[%rem3A_94, %dma_start3A_95, %dma_start3A_96] : memref<2x32x128xf32, #tpu.memory_space<vmem>> -> memref<1x32x128xf32, #tpu.memory_space<vmem>>
      %dma_start3A_98 = tpu.memref_squeeze %dma_start3A_97 : memref<1x32x128xf32, #tpu.memory_space<vmem>> -> memref<32x128xf32, #tpu.memory_space<vmem>>
      %dma_start3A_99 = arith.constant 0 : i32
      %dma_start3A_100 = arith.constant 0 : i32
      %dma_start3A_101 = tpu.memref_slice %arg3[%dma_start3A_99, %dma_start3A_100] : memref<12800x128xf32, #tpu.memory_space<hbm>> -> memref<32x128xf32, #tpu.memory_space<hbm>>
      %dma_start3A_102 = tpu.memref_slice %run_scoped3A_9[%rem3A_94] : memref<2x!tpu.dma_semaphore, #tpu.memory_space<semaphore_mem>> -> memref<1x!tpu.dma_semaphore, #tpu.memory_space<semaphore_mem>>
      %dma_start3A_103 = tpu.memref_squeeze %dma_start3A_102 : memref<1x!tpu.dma_semaphore, #tpu.memory_space<semaphore_mem>> -> memref<!tpu.dma_semaphore, #tpu.memory_space<semaphore_mem>>
      %dma_start3A_104 = arith.constant 0 : i32
      %dma_start3A_105 = arith.constant 0 : i32
      %dma_start3A_106 = tpu.memref_slice %run_scoped3A_8[%rem3A_94, %dma_start3A_104, %dma_start3A_105] : memref<2x32x128xf32, #tpu.memory_space<vmem>> -> memref<1x32x128xf32, #tpu.memory_space<vmem>>
      %dma_start3A_107 = tpu.memref_squeeze %dma_start3A_106 : memref<1x32x128xf32, #tpu.memory_space<vmem>> -> memref<32x128xf32, #tpu.memory_space<vmem>>
      %dma_start3A_108 = arith.constant 0 : i32
      %dma_start3A_109 = arith.constant 0 : i32
      %dma_start3A_110 = tpu.memref_slice %arg3[%dma_start3A_108, %dma_start3A_109] : memref<12800x128xf32, #tpu.memory_space<hbm>> -> memref<32x128xf32, #tpu.memory_space<hbm>>
      tpu.enqueue_dma source(%dma_start3A_110 : memref<32x128xf32, #tpu.memory_space<hbm>>) target(%dma_start3A_107 : memref<32x128xf32, #tpu.memory_space<vmem>>) target_semaphore(%dma_start3A_103 : memref<!tpu.dma_semaphore, #tpu.memory_space<semaphore_mem>>)
      %add3A_111 = arith.constant 0 : i32
      %add3A_112 = arith.constant 1 : i32
      %add3A_113 = arith.addi %add3A_111, %add3A_112 : i32
      %select_n3A_114 = arith.constant true
      %select_n3A_115 = arith.constant 0 : i32
      %select_n3A_116 = arith.select %select_n3A_114, %add3A_113, %select_n3A_115 : i32
      "tpu.trace_stop"() : () -> ()
      %scan3A = arith.constant 0 : i32
      %scan3A_117 = arith.constant 0 : i32
      %scan3A_118 = arith.constant 0 : i32
      %scan3A_119 = arith.constant 0 : i32
      %scan3A_120 = arith.constant 0 : i32
      %scan3A_121 = arith.constant 0 : i32
      %scan3A_122 = arith.constant 0 : i32
      %scan3A_123 = arith.constant 400 : i32
      %scan3A_124 = arith.addi %scan3A_122, %scan3A_123 : i32
      %scan3A_125 = arith.constant 1 : i32
      %scan3A_126:8 = scf.for %scan3A_220 = %scan3A_122 to %scan3A_124 step %scan3A_125 iter_args(%scan3A_221 = %select_n3A_91, %scan3A_222 = %scan3A, %scan3A_223 = %select_n3A_116, %scan3A_224 = %scan3A_117, %scan3A_225 = %scan3A_118, %scan3A_226 = %scan3A_119, %scan3A_227 = %scan3A_120, %scan3A_228 = %scan3A_121) -> (i32, i32, i32, i32, i32, i32, i32, i32)  : i32 {
        %eq3A_229 = arith.constant 0 : i32
        %eq3A_230 = arith.cmpi eq, %scan3A_220, %eq3A_229 : i32
        %eq3A_231 = arith.constant 399 : i32
        %eq3A_232 = arith.cmpi eq, %scan3A_220, %eq3A_231 : i32
        %add3A_233 = arith.constant 0 : i32
        %add3A_234 = arith.addi %scan3A_227, %add3A_233 : i32
        %add3A_235 = arith.constant 0 : i32
        %add3A_236 = arith.addi %add3A_235, %mul3A_6 : i32
        %select_n3A_237 = arith.constant true
        %select_n3A_238 = arith.constant 0 : i32
        %select_n3A_239 = arith.constant -1 : i32
        %select_n3A_240 = arith.select %select_n3A_237, %select_n3A_239, %select_n3A_238 : i32
        %eq3A_241 = arith.constant -1 : i32
        %eq3A_242 = arith.cmpi eq, %select_n3A_240, %eq3A_241 : i32
        %select_n3A_243 = arith.constant 0 : i32
        %select_n3A_244 = arith.select %eq3A_242, %select_n3A_243, %select_n3A_240 : i32
        %sub3A_245 = arith.constant 1 : i32
        %sub3A_246 = arith.subi %scan3A_227, %sub3A_245 : i32
        %select_n3A_247 = arith.select %eq3A_242, %sub3A_246, %scan3A_227 : i32
        %eq3A_248 = arith.constant -1 : i32
        %eq3A_249 = arith.cmpi eq, %select_n3A_247, %eq3A_248 : i32
        %select_n3A_250 = arith.constant 399 : i32
        %select_n3A_251 = arith.select %eq3A_249, %select_n3A_250, %select_n3A_247 : i32
        %add3A_252 = arith.constant 0 : i32
        %add3A_253 = arith.addi %select_n3A_251, %add3A_252 : i32
        %add3A_254 = arith.constant 0 : i32
        %add3A_255 = arith.addi %add3A_254, %mul3A_6 : i32
        %select_n3A_256 = arith.constant true
        %select_n3A_257 = arith.constant 0 : i32
        %select_n3A_258 = arith.constant 1 : i32
        %select_n3A_259 = arith.select %select_n3A_256, %select_n3A_258, %select_n3A_257 : i32
        %eq3A_260 = arith.constant 1 : i32
        %eq3A_261 = arith.cmpi eq, %select_n3A_259, %eq3A_260 : i32
        %select_n3A_262 = arith.constant 0 : i32
        %select_n3A_263 = arith.select %eq3A_261, %select_n3A_262, %select_n3A_259 : i32
        %add3A_264 = arith.constant 1 : i32
        %add3A_265 = arith.addi %scan3A_227, %add3A_264 : i32
        %select_n3A_266 = arith.select %eq3A_261, %add3A_265, %scan3A_227 : i32
        %eq3A_267 = arith.constant 400 : i32
        %eq3A_268 = arith.cmpi eq, %select_n3A_266, %eq3A_267 : i32
        %select_n3A_269 = arith.constant 0 : i32
        %select_n3A_270 = arith.select %eq3A_268, %select_n3A_269, %select_n3A_266 : i32
        %add3A_271 = arith.constant 0 : i32
        %add3A_272 = arith.addi %select_n3A_270, %add3A_271 : i32
        %add3A_273 = arith.constant 0 : i32
        %add3A_274 = arith.addi %add3A_273, %mul3A_6 : i32
        %select_n3A_275 = arith.constant true
        %select_n3A_276 = arith.constant 0 : i32
        %select_n3A_277 = arith.constant 1 : i32
        %select_n3A_278 = arith.select %select_n3A_275, %select_n3A_277, %select_n3A_276 : i32
        %eq3A_279 = arith.constant 1 : i32
        %eq3A_280 = arith.cmpi eq, %select_n3A_278, %eq3A_279 : i32
        %select_n3A_281 = arith.constant 0 : i32
        %select_n3A_282 = arith.select %eq3A_280, %select_n3A_281, %select_n3A_278 : i32
        %add3A_283 = arith.constant 1 : i32
        %add3A_284 = arith.addi %select_n3A_270, %add3A_283 : i32
        %select_n3A_285 = arith.select %eq3A_280, %add3A_284, %select_n3A_270 : i32
        %eq3A_286 = arith.constant 400 : i32
        %eq3A_287 = arith.cmpi eq, %select_n3A_285, %eq3A_286 : i32
        %select_n3A_288 = arith.constant 0 : i32
        %select_n3A_289 = arith.select %eq3A_287, %select_n3A_288, %select_n3A_285 : i32
        %add3A_290 = arith.constant 0 : i32
        %add3A_291 = arith.addi %select_n3A_289, %add3A_290 : i32
        %add3A_292 = arith.constant 0 : i32
        %add3A_293 = arith.addi %add3A_292, %mul3A_6 : i32
        %ne3A = arith.cmpi ne, %add3A_234, %add3A_272 : i32
        %ne3A_294 = arith.cmpi ne, %add3A_236, %add3A_274 : i32
        %or3A = arith.constant false
        %or3A_295 = arith.ori %or3A, %ne3A : i1
        %or3A_296 = arith.ori %or3A_295, %ne3A_294 : i1
        %ge3A = arith.constant 399 : i32
        %ge3A_297 = arith.cmpi sge, %scan3A_220, %ge3A : i32
        %not3A = arith.constant true
        %not3A_298 = arith.xori %ge3A_297, %not3A : i1
        %and3A = arith.andi %or3A_296, %not3A_298 : i1
        %convert_element_type3A = arith.extui %and3A : i1 to i32
        %cond3A = arith.constant 0 : i32
        %cond3A_299 = arith.cmpi ne, %convert_element_type3A, %cond3A : i32
        scf.if %cond3A_299 {
          "tpu.trace_start"() <{level = 10 : i32, message = "ep_copy_in"}> : () -> ()
          %rem3A_483 = arith.constant 2 : i32
          %rem3A_484 = arith.remui %scan3A_221, %rem3A_483 : i32
          %mul3A_485 = arith.constant 32 : i32
          %mul3A_486 = arith.muli %mul3A_485, %add3A_272 : i32
          %mul3A_487 = arith.constant 128 : i32
          %mul3A_488 = arith.muli %mul3A_487, %add3A_274 : i32
          %dma_start3A_489 = arith.constant 0 : i32
          %dma_start3A_490 = arith.constant 0 : i32
          %dma_start3A_491 = tpu.memref_slice %run_scoped3A[%rem3A_484, %dma_start3A_489, %dma_start3A_490] : memref<2x32x128xf32, #tpu.memory_space<vmem>> -> memref<1x32x128xf32, #tpu.memory_space<vmem>>
          %dma_start3A_492 = tpu.memref_squeeze %dma_start3A_491 : memref<1x32x128xf32, #tpu.memory_space<vmem>> -> memref<32x128xf32, #tpu.memory_space<vmem>>
          %dma_start3A_493 = tpu.memref_slice %arg2[%mul3A_486, %mul3A_488] : memref<12800x4096xf32, #tpu.memory_space<hbm>> -> memref<32x128xf32, #tpu.memory_space<hbm>>
          %dma_start3A_494 = tpu.memref_slice %run_scoped3A_7[%rem3A_484] : memref<2x!tpu.dma_semaphore, #tpu.memory_space<semaphore_mem>> -> memref<1x!tpu.dma_semaphore, #tpu.memory_space<semaphore_mem>>
          %dma_start3A_495 = tpu.memref_squeeze %dma_start3A_494 : memref<1x!tpu.dma_semaphore, #tpu.memory_space<semaphore_mem>> -> memref<!tpu.dma_semaphore, #tpu.memory_space<semaphore_mem>>
          %dma_start3A_496 = arith.constant 0 : i32
          %dma_start3A_497 = arith.constant 0 : i32
          %dma_start3A_498 = tpu.memref_slice %run_scoped3A[%rem3A_484, %dma_start3A_496, %dma_start3A_497] : memref<2x32x128xf32, #tpu.memory_space<vmem>> -> memref<1x32x128xf32, #tpu.memory_space<vmem>>
          %dma_start3A_499 = tpu.memref_squeeze %dma_start3A_498 : memref<1x32x128xf32, #tpu.memory_space<vmem>> -> memref<32x128xf32, #tpu.memory_space<vmem>>
          %dma_start3A_500 = tpu.memref_slice %arg2[%mul3A_486, %mul3A_488] : memref<12800x4096xf32, #tpu.memory_space<hbm>> -> memref<32x128xf32, #tpu.memory_space<hbm>>
          tpu.enqueue_dma source(%dma_start3A_500 : memref<32x128xf32, #tpu.memory_space<hbm>>) target(%dma_start3A_499 : memref<32x128xf32, #tpu.memory_space<vmem>>) target_semaphore(%dma_start3A_495 : memref<!tpu.dma_semaphore, #tpu.memory_space<semaphore_mem>>)
          "tpu.trace_stop"() : () -> ()
        } else {
        }
        %and3A_300 = arith.constant true
        %and3A_301 = arith.andi %and3A, %and3A_300 : i1
        %add3A_302 = arith.constant 1 : i32
        %add3A_303 = arith.addi %scan3A_221, %add3A_302 : i32
        %select_n3A_304 = arith.select %and3A_301, %add3A_303, %scan3A_221 : i32
        %ne3A_305 = arith.cmpi ne, %add3A_234, %add3A_272 : i32
        %or3A_306 = arith.constant false
        %or3A_307 = arith.ori %or3A_306, %ne3A_305 : i1
        %or3A_308 = arith.constant false
        %or3A_309 = arith.ori %or3A_307, %or3A_308 : i1
        %ge3A_310 = arith.constant 399 : i32
        %ge3A_311 = arith.cmpi sge, %scan3A_220, %ge3A_310 : i32
        %not3A_312 = arith.constant true
        %not3A_313 = arith.xori %ge3A_311, %not3A_312 : i1
        %and3A_314 = arith.andi %or3A_309, %not3A_313 : i1
        %convert_element_type3A_315 = arith.extui %and3A_314 : i1 to i32
        %cond3A_316 = arith.constant 0 : i32
        %cond3A_317 = arith.cmpi ne, %convert_element_type3A_315, %cond3A_316 : i32
        scf.if %cond3A_317 {
          "tpu.trace_start"() <{level = 10 : i32, message = "ep_copy_in"}> : () -> ()
          %rem3A_483 = arith.constant 2 : i32
          %rem3A_484 = arith.remui %scan3A_223, %rem3A_483 : i32
          %mul3A_485 = arith.constant 32 : i32
          %mul3A_486 = arith.muli %mul3A_485, %add3A_272 : i32
          %dma_start3A_487 = arith.constant 0 : i32
          %dma_start3A_488 = arith.constant 0 : i32
          %dma_start3A_489 = tpu.memref_slice %run_scoped3A_8[%rem3A_484, %dma_start3A_487, %dma_start3A_488] : memref<2x32x128xf32, #tpu.memory_space<vmem>> -> memref<1x32x128xf32, #tpu.memory_space<vmem>>
          %dma_start3A_490 = tpu.memref_squeeze %dma_start3A_489 : memref<1x32x128xf32, #tpu.memory_space<vmem>> -> memref<32x128xf32, #tpu.memory_space<vmem>>
          %dma_start3A_491 = arith.constant 0 : i32
          %dma_start3A_492 = tpu.memref_slice %arg3[%mul3A_486, %dma_start3A_491] : memref<12800x128xf32, #tpu.memory_space<hbm>> -> memref<32x128xf32, #tpu.memory_space<hbm>>
          %dma_start3A_493 = tpu.memref_slice %run_scoped3A_9[%rem3A_484] : memref<2x!tpu.dma_semaphore, #tpu.memory_space<semaphore_mem>> -> memref<1x!tpu.dma_semaphore, #tpu.memory_space<semaphore_mem>>
          %dma_start3A_494 = tpu.memref_squeeze %dma_start3A_493 : memref<1x!tpu.dma_semaphore, #tpu.memory_space<semaphore_mem>> -> memref<!tpu.dma_semaphore, #tpu.memory_space<semaphore_mem>>
          %dma_start3A_495 = arith.constant 0 : i32
          %dma_start3A_496 = arith.constant 0 : i32
          %dma_start3A_497 = tpu.memref_slice %run_scoped3A_8[%rem3A_484, %dma_start3A_495, %dma_start3A_496] : memref<2x32x128xf32, #tpu.memory_space<vmem>> -> memref<1x32x128xf32, #tpu.memory_space<vmem>>
          %dma_start3A_498 = tpu.memref_squeeze %dma_start3A_497 : memref<1x32x128xf32, #tpu.memory_space<vmem>> -> memref<32x128xf32, #tpu.memory_space<vmem>>
          %dma_start3A_499 = arith.constant 0 : i32
          %dma_start3A_500 = tpu.memref_slice %arg3[%mul3A_486, %dma_start3A_499] : memref<12800x128xf32, #tpu.memory_space<hbm>> -> memref<32x128xf32, #tpu.memory_space<hbm>>
          tpu.enqueue_dma source(%dma_start3A_500 : memref<32x128xf32, #tpu.memory_space<hbm>>) target(%dma_start3A_498 : memref<32x128xf32, #tpu.memory_space<vmem>>) target_semaphore(%dma_start3A_494 : memref<!tpu.dma_semaphore, #tpu.memory_space<semaphore_mem>>)
          "tpu.trace_stop"() : () -> ()
        } else {
        }
        %and3A_318 = arith.constant true
        %and3A_319 = arith.andi %and3A_314, %and3A_318 : i1
        %add3A_320 = arith.constant 1 : i32
        %add3A_321 = arith.addi %scan3A_223, %add3A_320 : i32
        %select_n3A_322 = arith.select %and3A_319, %add3A_321, %scan3A_223 : i32
        %ne3A_323 = arith.cmpi ne, %add3A_234, %add3A_272 : i32
        %ne3A_324 = arith.cmpi ne, %add3A_236, %add3A_274 : i32
        %or3A_325 = arith.constant false
        %or3A_326 = arith.ori %or3A_325, %ne3A_323 : i1
        %or3A_327 = arith.ori %or3A_326, %ne3A_324 : i1
        %ge3A_328 = arith.constant 399 : i32
        %ge3A_329 = arith.cmpi sge, %scan3A_220, %ge3A_328 : i32
        %not3A_330 = arith.constant true
        %not3A_331 = arith.xori %ge3A_329, %not3A_330 : i1
        %and3A_332 = arith.andi %or3A_327, %not3A_331 : i1
        %ne3A_333 = arith.cmpi ne, %add3A_234, %add3A_253 : i32
        %ne3A_334 = arith.cmpi ne, %add3A_236, %add3A_255 : i32
        %or3A_335 = arith.constant false
        %or3A_336 = arith.ori %or3A_335, %ne3A_333 : i1
        %or3A_337 = arith.ori %or3A_336, %ne3A_334 : i1
        %or3A_338 = arith.ori %or3A_337, %eq3A_230 : i1
        %convert_element_type3A_339 = arith.extui %or3A_338 : i1 to i32
        %cond3A_340 = arith.constant 0 : i32
        %cond3A_341 = arith.cmpi ne, %convert_element_type3A_339, %cond3A_340 : i32
        scf.if %cond3A_341 {
          "tpu.trace_start"() <{level = 10 : i32, message = "ep_wait_in"}> : () -> ()
          %mul3A_483 = arith.constant 32 : i32
          %mul3A_484 = arith.muli %mul3A_483, %add3A_234 : i32
          %mul3A_485 = arith.constant 128 : i32
          %mul3A_486 = arith.muli %mul3A_485, %add3A_236 : i32
          %rem3A_487 = arith.constant 2 : i32
          %rem3A_488 = arith.remui %scan3A_222, %rem3A_487 : i32
          %dma_wait3A_489 = arith.constant 0 : i32
          %dma_wait3A_490 = arith.constant 0 : i32
          %dma_wait3A_491 = tpu.memref_slice %run_scoped3A[%rem3A_488, %dma_wait3A_489, %dma_wait3A_490] : memref<2x32x128xf32, #tpu.memory_space<vmem>> -> memref<1x32x128xf32, #tpu.memory_space<vmem>>
          %dma_wait3A_492 = tpu.memref_squeeze %dma_wait3A_491 : memref<1x32x128xf32, #tpu.memory_space<vmem>> -> memref<32x128xf32, #tpu.memory_space<vmem>>
          %dma_wait3A_493 = tpu.memref_slice %arg2[%mul3A_484, %mul3A_486] : memref<12800x4096xf32, #tpu.memory_space<hbm>> -> memref<32x128xf32, #tpu.memory_space<hbm>>
          %dma_wait3A_494 = tpu.memref_slice %run_scoped3A_7[%rem3A_488] : memref<2x!tpu.dma_semaphore, #tpu.memory_space<semaphore_mem>> -> memref<1x!tpu.dma_semaphore, #tpu.memory_space<semaphore_mem>>
          %dma_wait3A_495 = tpu.memref_squeeze %dma_wait3A_494 : memref<1x!tpu.dma_semaphore, #tpu.memory_space<semaphore_mem>> -> memref<!tpu.dma_semaphore, #tpu.memory_space<semaphore_mem>>
          %dma_wait3A_496 = arith.constant 0 : i32
          %dma_wait3A_497 = arith.constant 0 : i32
          %dma_wait3A_498 = tpu.memref_slice %run_scoped3A[%rem3A_488, %dma_wait3A_496, %dma_wait3A_497] : memref<2x32x128xf32, #tpu.memory_space<vmem>> -> memref<1x32x128xf32, #tpu.memory_space<vmem>>
          %dma_wait3A_499 = tpu.memref_squeeze %dma_wait3A_498 : memref<1x32x128xf32, #tpu.memory_space<vmem>> -> memref<32x128xf32, #tpu.memory_space<vmem>>
          %dma_wait3A_500 = tpu.memref_slice %arg2[%mul3A_484, %mul3A_486] : memref<12800x4096xf32, #tpu.memory_space<hbm>> -> memref<32x128xf32, #tpu.memory_space<hbm>>
          tpu.wait_dma2 semaphore(%dma_wait3A_495 : memref<!tpu.dma_semaphore, #tpu.memory_space<semaphore_mem>>) src(%dma_wait3A_500 : memref<32x128xf32, #tpu.memory_space<hbm>>) dst(%dma_wait3A_499 : memref<32x128xf32, #tpu.memory_space<vmem>>)
          "tpu.trace_stop"() : () -> ()
        } else {
        }
        %ne3A_342 = arith.cmpi ne, %add3A_234, %add3A_253 : i32
        %or3A_343 = arith.constant false
        %or3A_344 = arith.ori %or3A_343, %ne3A_342 : i1
        %or3A_345 = arith.constant false
        %or3A_346 = arith.ori %or3A_344, %or3A_345 : i1
        %or3A_347 = arith.ori %or3A_346, %eq3A_230 : i1
        %convert_element_type3A_348 = arith.extui %or3A_347 : i1 to i32
        %cond3A_349 = arith.constant 0 : i32
        %cond3A_350 = arith.cmpi ne, %convert_element_type3A_348, %cond3A_349 : i32
        scf.if %cond3A_350 {
          "tpu.trace_start"() <{level = 10 : i32, message = "ep_wait_in"}> : () -> ()
          %mul3A_483 = arith.constant 32 : i32
          %mul3A_484 = arith.muli %mul3A_483, %add3A_234 : i32
          %rem3A_485 = arith.constant 2 : i32
          %rem3A_486 = arith.remui %scan3A_224, %rem3A_485 : i32
          %dma_wait3A_487 = arith.constant 0 : i32
          %dma_wait3A_488 = arith.constant 0 : i32
          %dma_wait3A_489 = tpu.memref_slice %run_scoped3A_8[%rem3A_486, %dma_wait3A_487, %dma_wait3A_488] : memref<2x32x128xf32, #tpu.memory_space<vmem>> -> memref<1x32x128xf32, #tpu.memory_space<vmem>>
          %dma_wait3A_490 = tpu.memref_squeeze %dma_wait3A_489 : memref<1x32x128xf32, #tpu.memory_space<vmem>> -> memref<32x128xf32, #tpu.memory_space<vmem>>
          %dma_wait3A_491 = arith.constant 0 : i32
          %dma_wait3A_492 = tpu.memref_slice %arg3[%mul3A_484, %dma_wait3A_491] : memref<12800x128xf32, #tpu.memory_space<hbm>> -> memref<32x128xf32, #tpu.memory_space<hbm>>
          %dma_wait3A_493 = tpu.memref_slice %run_scoped3A_9[%rem3A_486] : memref<2x!tpu.dma_semaphore, #tpu.memory_space<semaphore_mem>> -> memref<1x!tpu.dma_semaphore, #tpu.memory_space<semaphore_mem>>
          %dma_wait3A_494 = tpu.memref_squeeze %dma_wait3A_493 : memref<1x!tpu.dma_semaphore, #tpu.memory_space<semaphore_mem>> -> memref<!tpu.dma_semaphore, #tpu.memory_space<semaphore_mem>>
          %dma_wait3A_495 = arith.constant 0 : i32
          %dma_wait3A_496 = arith.constant 0 : i32
          %dma_wait3A_497 = tpu.memref_slice %run_scoped3A_8[%rem3A_486, %dma_wait3A_495, %dma_wait3A_496] : memref<2x32x128xf32, #tpu.memory_space<vmem>> -> memref<1x32x128xf32, #tpu.memory_space<vmem>>
          %dma_wait3A_498 = tpu.memref_squeeze %dma_wait3A_497 : memref<1x32x128xf32, #tpu.memory_space<vmem>> -> memref<32x128xf32, #tpu.memory_space<vmem>>
          %dma_wait3A_499 = arith.constant 0 : i32
          %dma_wait3A_500 = tpu.memref_slice %arg3[%mul3A_484, %dma_wait3A_499] : memref<12800x128xf32, #tpu.memory_space<hbm>> -> memref<32x128xf32, #tpu.memory_space<hbm>>
          tpu.wait_dma2 semaphore(%dma_wait3A_494 : memref<!tpu.dma_semaphore, #tpu.memory_space<semaphore_mem>>) src(%dma_wait3A_500 : memref<32x128xf32, #tpu.memory_space<hbm>>) dst(%dma_wait3A_498 : memref<32x128xf32, #tpu.memory_space<vmem>>)
          "tpu.trace_stop"() : () -> ()
        } else {
        }
        %ne3A_351 = arith.cmpi ne, %add3A_234, %add3A_253 : i32
        %ne3A_352 = arith.cmpi ne, %add3A_236, %add3A_255 : i32
        %or3A_353 = arith.constant false
        %or3A_354 = arith.ori %or3A_353, %ne3A_351 : i1
        %or3A_355 = arith.ori %or3A_354, %ne3A_352 : i1
        %or3A_356 = arith.ori %or3A_355, %eq3A_230 : i1
        %convert_element_type3A_357 = arith.extui %or3A_356 : i1 to i32
        %cond3A_358 = arith.constant 0 : i32
        %cond3A_359 = arith.cmpi ne, %convert_element_type3A_357, %cond3A_358 : i32
        scf.if %cond3A_359 {
        } else {
        }
        %rem3A_360 = arith.constant 2 : i32
        %rem3A_361 = arith.remui %scan3A_222, %rem3A_360 : i32
        %rem3A_362 = arith.constant 2 : i32
        %rem3A_363 = arith.remui %scan3A_224, %rem3A_362 : i32
        %rem3A_364 = arith.constant 2 : i32
        %rem3A_365 = arith.remui %scan3A_225, %rem3A_364 : i32
        "tpu.trace_start"() <{level = 10 : i32, message = "ep_run_kernel"}> : () -> ()
        %scan3A_366 = arith.constant 0 : i32
        %scan3A_367 = arith.constant 32 : i32
        %scan3A_368 = arith.addi %scan3A_366, %scan3A_367 : i32
        %scan3A_369 = arith.constant 1 : i32
        scf.for %scan3A_483 = %scan3A_366 to %scan3A_368 step %scan3A_369  : i32 {
          %mul3A_484 = arith.constant 1 : i32
          %mul3A_485 = arith.muli %scan3A_483, %mul3A_484 : i32
          %add3A_486 = arith.constant 0 : i32
          %add3A_487 = arith.addi %add3A_486, %mul3A_485 : i32
          %scan3A_488 = arith.constant 0 : i32
          %scan3A_489 = arith.constant 8 : i32
          %scan3A_490 = arith.addi %scan3A_488, %scan3A_489 : i32
          %scan3A_491 = arith.constant 1 : i32
          scf.for %scan3A_493 = %scan3A_488 to %scan3A_490 step %scan3A_491  : i32 {
            %mul3A_494 = arith.constant 16 : i32
            %mul3A_495 = arith.muli %scan3A_493, %mul3A_494 : i32
            %add3A_496 = arith.constant 0 : i32
            %add3A_497 = arith.addi %add3A_496, %mul3A_495 : i32
            %get3A = arith.constant 0 : i32
            %get3A_498 = arith.constant 0 : i32
            %get3A_499 = tpu.memref_slice %run_scoped3A[%rem3A_361, %get3A, %get3A_498] : memref<2x32x128xf32, #tpu.memory_space<vmem>> -> memref<1x32x128xf32, #tpu.memory_space<vmem>>
            %get3A_500 = tpu.memref_squeeze %get3A_499 : memref<1x32x128xf32, #tpu.memory_space<vmem>> -> memref<32x128xf32, #tpu.memory_space<vmem>>
            %get3A_501 = arith.index_cast %add3A_487 : i32 to index
            %get3A_502 = arith.index_cast %add3A_497 : i32 to index
            %get3A_503 = tpu.vector_load %get3A_500[%get3A_501, %get3A_502] {strides = array<i32>} : memref<32x128xf32, #tpu.memory_space<vmem>>, vector<1x16xf32>,
            %get3A_504 = vector.shape_cast %get3A_503 : vector<1x16xf32> to vector<1x16xf32>
            %get3A_505 = arith.constant 0 : i32
            %get3A_506 = arith.constant 0 : i32
            %get3A_507 = tpu.memref_slice %run_scoped3A_8[%rem3A_363, %get3A_505, %get3A_506] : memref<2x32x128xf32, #tpu.memory_space<vmem>> -> memref<1x32x128xf32, #tpu.memory_space<vmem>>
            %get3A_508 = tpu.memref_squeeze %get3A_507 : memref<1x32x128xf32, #tpu.memory_space<vmem>> -> memref<32x128xf32, #tpu.memory_space<vmem>>
            %get3A_509 = arith.index_cast %add3A_487 : i32 to index
            %get3A_510 = arith.index_cast %add3A_497 : i32 to index
            %get3A_511 = tpu.vector_load %get3A_508[%get3A_509, %get3A_510] {strides = array<i32>} : memref<32x128xf32, #tpu.memory_space<vmem>>, vector<1x16xf32>,
            %get3A_512 = vector.shape_cast %get3A_511 : vector<1x16xf32> to vector<1x16xf32>
            %add3A_513 = arith.addf %get3A_504, %get3A_512 : vector<1x16xf32>
            %swap3A = arith.constant 0 : i32
            %swap3A_514 = arith.constant 0 : i32
            %swap3A_515 = tpu.memref_slice %run_scoped3A_10[%rem3A_365, %swap3A, %swap3A_514] : memref<2x32x128xf32, #tpu.memory_space<vmem>> -> memref<1x32x128xf32, #tpu.memory_space<vmem>>
            %swap3A_516 = tpu.memref_squeeze %swap3A_515 : memref<1x32x128xf32, #tpu.memory_space<vmem>> -> memref<32x128xf32, #tpu.memory_space<vmem>>
            %swap3A_517 = arith.index_cast %add3A_487 : i32 to index
            %swap3A_518 = arith.index_cast %add3A_497 : i32 to index
            %swap3A_519 = tpu.vector_load %swap3A_516[%swap3A_517, %swap3A_518] {strides = array<i32>} : memref<32x128xf32, #tpu.memory_space<vmem>>, vector<1x16xf32>,
            %swap3A_520 = vector.shape_cast %swap3A_519 : vector<1x16xf32> to vector<1x16xf32>
            %swap3A_521 = vector.shape_cast %add3A_513 : vector<1x16xf32> to vector<1x16xf32>
            tpu.vector_store %swap3A_516[%swap3A_517, %swap3A_518], %swap3A_521 {strides = array<i32>} : memref<32x128xf32, #tpu.memory_space<vmem>>, vector<1x16xf32>,
          }
          %scan3A_492 = arith.constant 8 : i32
        }
        %scan3A_370 = arith.constant 32 : i32
        "tpu.trace_stop"() : () -> ()
        %ne3A_371 = arith.cmpi ne, %add3A_234, %add3A_272 : i32
        %ne3A_372 = arith.cmpi ne, %add3A_236, %add3A_274 : i32
        %or3A_373 = arith.constant false
        %or3A_374 = arith.ori %or3A_373, %ne3A_371 : i1
        %or3A_375 = arith.ori %or3A_374, %ne3A_372 : i1
        %or3A_376 = arith.ori %or3A_375, %eq3A_232 : i1
        %convert_element_type3A_377 = arith.extui %or3A_376 : i1 to i32
        %cond3A_378 = arith.constant 0 : i32
        %cond3A_379 = arith.cmpi ne, %convert_element_type3A_377, %cond3A_378 : i32
        scf.if %cond3A_379 {
        } else {
        }
        %and3A_380 = arith.constant false
        %and3A_381 = arith.andi %or3A_376, %and3A_380 : i1
        %ne3A_382 = arith.cmpi ne, %add3A_234, %add3A_272 : i32
        %or3A_383 = arith.constant false
        %or3A_384 = arith.ori %or3A_383, %ne3A_382 : i1
        %or3A_385 = arith.constant false
        %or3A_386 = arith.ori %or3A_384, %or3A_385 : i1
        %or3A_387 = arith.ori %or3A_386, %eq3A_232 : i1
        %convert_element_type3A_388 = arith.extui %or3A_387 : i1 to i32
        %cond3A_389 = arith.constant 0 : i32
        %cond3A_390 = arith.cmpi ne, %convert_element_type3A_388, %cond3A_389 : i32
        scf.if %cond3A_390 {
        } else {
        }
        %and3A_391 = arith.constant false
        %and3A_392 = arith.andi %or3A_387, %and3A_391 : i1
        %ne3A_393 = arith.cmpi ne, %add3A_234, %add3A_272 : i32
        %ne3A_394 = arith.cmpi ne, %add3A_236, %add3A_274 : i32
        %or3A_395 = arith.constant false
        %or3A_396 = arith.ori %or3A_395, %ne3A_393 : i1
        %or3A_397 = arith.ori %or3A_396, %ne3A_394 : i1
        %or3A_398 = arith.ori %or3A_397, %eq3A_232 : i1
        %convert_element_type3A_399 = arith.extui %or3A_398 : i1 to i32
        %cond3A_400 = arith.constant 0 : i32
        %cond3A_401 = arith.cmpi ne, %convert_element_type3A_399, %cond3A_400 : i32
        scf.if %cond3A_401 {
          "tpu.trace_start"() <{level = 10 : i32, message = "ep_copy_out"}> : () -> ()
          %rem3A_483 = arith.constant 2 : i32
          %rem3A_484 = arith.remui %scan3A_225, %rem3A_483 : i32
          %mul3A_485 = arith.constant 32 : i32
          %mul3A_486 = arith.muli %mul3A_485, %add3A_234 : i32
          %mul3A_487 = arith.constant 128 : i32
          %mul3A_488 = arith.muli %mul3A_487, %add3A_236 : i32
          %dma_start3A_489 = arith.constant 0 : i32
          %dma_start3A_490 = arith.constant 0 : i32
          %dma_start3A_491 = tpu.memref_slice %run_scoped3A_10[%rem3A_484, %dma_start3A_489, %dma_start3A_490] : memref<2x32x128xf32, #tpu.memory_space<vmem>> -> memref<1x32x128xf32, #tpu.memory_space<vmem>>
          %dma_start3A_492 = tpu.memref_squeeze %dma_start3A_491 : memref<1x32x128xf32, #tpu.memory_space<vmem>> -> memref<32x128xf32, #tpu.memory_space<vmem>>
          %dma_start3A_493 = tpu.memref_slice %arg4[%mul3A_486, %mul3A_488] : memref<12800x4096xf32, #tpu.memory_space<hbm>> -> memref<32x128xf32, #tpu.memory_space<hbm>>
          %dma_start3A_494 = tpu.memref_slice %run_scoped3A_11[%rem3A_484] : memref<2x!tpu.dma_semaphore, #tpu.memory_space<semaphore_mem>> -> memref<1x!tpu.dma_semaphore, #tpu.memory_space<semaphore_mem>>
          %dma_start3A_495 = tpu.memref_squeeze %dma_start3A_494 : memref<1x!tpu.dma_semaphore, #tpu.memory_space<semaphore_mem>> -> memref<!tpu.dma_semaphore, #tpu.memory_space<semaphore_mem>>
          %dma_start3A_496 = tpu.memref_slice %arg4[%mul3A_486, %mul3A_488] : memref<12800x4096xf32, #tpu.memory_space<hbm>> -> memref<32x128xf32, #tpu.memory_space<hbm>>
          %dma_start3A_497 = arith.constant 0 : i32
          %dma_start3A_498 = arith.constant 0 : i32
          %dma_start3A_499 = tpu.memref_slice %run_scoped3A_10[%rem3A_484, %dma_start3A_497, %dma_start3A_498] : memref<2x32x128xf32, #tpu.memory_space<vmem>> -> memref<1x32x128xf32, #tpu.memory_space<vmem>>
          %dma_start3A_500 = tpu.memref_squeeze %dma_start3A_499 : memref<1x32x128xf32, #tpu.memory_space<vmem>> -> memref<32x128xf32, #tpu.memory_space<vmem>>
          tpu.enqueue_dma source(%dma_start3A_500 : memref<32x128xf32, #tpu.memory_space<vmem>>) target(%dma_start3A_496 : memref<32x128xf32, #tpu.memory_space<hbm>>) target_semaphore(%dma_start3A_495 : memref<!tpu.dma_semaphore, #tpu.memory_space<semaphore_mem>>)
          "tpu.trace_stop"() : () -> ()
        } else {
        }
        %and3A_402 = arith.constant true
        %and3A_403 = arith.andi %or3A_398, %and3A_402 : i1
        %add3A_404 = arith.constant 1 : i32
        %add3A_405 = arith.addi %scan3A_225, %add3A_404 : i32
        %select_n3A_406 = arith.select %and3A_403, %add3A_405, %scan3A_225 : i32
        %ne3A_407 = arith.cmpi ne, %add3A_234, %add3A_253 : i32
        %ne3A_408 = arith.cmpi ne, %add3A_236, %add3A_255 : i32
        %or3A_409 = arith.constant false
        %or3A_410 = arith.ori %or3A_409, %ne3A_407 : i1
        %or3A_411 = arith.ori %or3A_410, %ne3A_408 : i1
        %not3A_412 = arith.constant true
        %not3A_413 = arith.xori %eq3A_230, %not3A_412 : i1
        %and3A_414 = arith.andi %or3A_411, %not3A_413 : i1
        %convert_element_type3A_415 = arith.extui %and3A_414 : i1 to i32
        %cond3A_416 = arith.constant 0 : i32
        %cond3A_417 = arith.cmpi ne, %convert_element_type3A_415, %cond3A_416 : i32
        scf.if %cond3A_417 {
        } else {
        }
        %and3A_418 = arith.constant false
        %and3A_419 = arith.andi %and3A_414, %and3A_418 : i1
        %ne3A_420 = arith.cmpi ne, %add3A_234, %add3A_253 : i32
        %or3A_421 = arith.constant false
        %or3A_422 = arith.ori %or3A_421, %ne3A_420 : i1
        %or3A_423 = arith.constant false
        %or3A_424 = arith.ori %or3A_422, %or3A_423 : i1
        %not3A_425 = arith.constant true
        %not3A_426 = arith.xori %eq3A_230, %not3A_425 : i1
        %and3A_427 = arith.andi %or3A_424, %not3A_426 : i1
        %convert_element_type3A_428 = arith.extui %and3A_427 : i1 to i32
        %cond3A_429 = arith.constant 0 : i32
        %cond3A_430 = arith.cmpi ne, %convert_element_type3A_428, %cond3A_429 : i32
        scf.if %cond3A_430 {
        } else {
        }
        %and3A_431 = arith.constant false
        %and3A_432 = arith.andi %and3A_427, %and3A_431 : i1
        %ne3A_433 = arith.cmpi ne, %add3A_234, %add3A_253 : i32
        %ne3A_434 = arith.cmpi ne, %add3A_236, %add3A_255 : i32
        %or3A_435 = arith.constant false
        %or3A_436 = arith.ori %or3A_435, %ne3A_433 : i1
        %or3A_437 = arith.ori %or3A_436, %ne3A_434 : i1
        %not3A_438 = arith.constant true
        %not3A_439 = arith.xori %eq3A_230, %not3A_438 : i1
        %and3A_440 = arith.andi %or3A_437, %not3A_439 : i1
        %convert_element_type3A_441 = arith.extui %and3A_440 : i1 to i32
        %cond3A_442 = arith.constant 0 : i32
        %cond3A_443 = arith.cmpi ne, %convert_element_type3A_441, %cond3A_442 : i32
        scf.if %cond3A_443 {
          "tpu.trace_start"() <{level = 10 : i32, message = "ep_wait_out"}> : () -> ()
          %rem3A_483 = arith.constant 2 : i32
          %rem3A_484 = arith.remui %scan3A_226, %rem3A_483 : i32
          %mul3A_485 = arith.constant 32 : i32
          %mul3A_486 = arith.muli %mul3A_485, %add3A_253 : i32
          %mul3A_487 = arith.constant 128 : i32
          %mul3A_488 = arith.muli %mul3A_487, %add3A_255 : i32
          %dma_wait3A_489 = arith.constant 0 : i32
          %dma_wait3A_490 = arith.constant 0 : i32
          %dma_wait3A_491 = tpu.memref_slice %run_scoped3A_10[%rem3A_484, %dma_wait3A_489, %dma_wait3A_490] : memref<2x32x128xf32, #tpu.memory_space<vmem>> -> memref<1x32x128xf32, #tpu.memory_space<vmem>>
          %dma_wait3A_492 = tpu.memref_squeeze %dma_wait3A_491 : memref<1x32x128xf32, #tpu.memory_space<vmem>> -> memref<32x128xf32, #tpu.memory_space<vmem>>
          %dma_wait3A_493 = tpu.memref_slice %arg4[%mul3A_486, %mul3A_488] : memref<12800x4096xf32, #tpu.memory_space<hbm>> -> memref<32x128xf32, #tpu.memory_space<hbm>>
          %dma_wait3A_494 = tpu.memref_slice %run_scoped3A_11[%rem3A_484] : memref<2x!tpu.dma_semaphore, #tpu.memory_space<semaphore_mem>> -> memref<1x!tpu.dma_semaphore, #tpu.memory_space<semaphore_mem>>
          %dma_wait3A_495 = tpu.memref_squeeze %dma_wait3A_494 : memref<1x!tpu.dma_semaphore, #tpu.memory_space<semaphore_mem>> -> memref<!tpu.dma_semaphore, #tpu.memory_space<semaphore_mem>>
          %dma_wait3A_496 = tpu.memref_slice %arg4[%mul3A_486, %mul3A_488] : memref<12800x4096xf32, #tpu.memory_space<hbm>> -> memref<32x128xf32, #tpu.memory_space<hbm>>
          %dma_wait3A_497 = arith.constant 0 : i32
          %dma_wait3A_498 = arith.constant 0 : i32
          %dma_wait3A_499 = tpu.memref_slice %run_scoped3A_10[%rem3A_484, %dma_wait3A_497, %dma_wait3A_498] : memref<2x32x128xf32, #tpu.memory_space<vmem>> -> memref<1x32x128xf32, #tpu.memory_space<vmem>>
          %dma_wait3A_500 = tpu.memref_squeeze %dma_wait3A_499 : memref<1x32x128xf32, #tpu.memory_space<vmem>> -> memref<32x128xf32, #tpu.memory_space<vmem>>
          tpu.wait_dma2 semaphore(%dma_wait3A_495 : memref<!tpu.dma_semaphore, #tpu.memory_space<semaphore_mem>>) src(%dma_wait3A_500 : memref<32x128xf32, #tpu.memory_space<vmem>>) dst(%dma_wait3A_496 : memref<32x128xf32, #tpu.memory_space<hbm>>)
          "tpu.trace_stop"() : () -> ()
        } else {
        }
        %and3A_444 = arith.constant true
        %and3A_445 = arith.andi %and3A_440, %and3A_444 : i1
        %add3A_446 = arith.constant 1 : i32
        %add3A_447 = arith.addi %scan3A_226, %add3A_446 : i32
        %select_n3A_448 = arith.select %and3A_445, %add3A_447, %scan3A_226 : i32
        %ne3A_449 = arith.cmpi ne, %add3A_234, %add3A_272 : i32
        %ne3A_450 = arith.cmpi ne, %add3A_236, %add3A_274 : i32
        %or3A_451 = arith.constant false
        %or3A_452 = arith.ori %or3A_451, %ne3A_449 : i1
        %or3A_453 = arith.ori %or3A_452, %ne3A_450 : i1
        %or3A_454 = arith.ori %or3A_453, %eq3A_232 : i1
        %add3A_455 = arith.constant 1 : i32
        %add3A_456 = arith.addi %scan3A_222, %add3A_455 : i32
        %select_n3A_457 = arith.select %or3A_454, %add3A_456, %scan3A_222 : i32
        %ne3A_458 = arith.cmpi ne, %add3A_234, %add3A_272 : i32
        %or3A_459 = arith.constant false
        %or3A_460 = arith.ori %or3A_459, %ne3A_458 : i1
        %or3A_461 = arith.constant false
        %or3A_462 = arith.ori %or3A_460, %or3A_461 : i1
        %or3A_463 = arith.ori %or3A_462, %eq3A_232 : i1
        %add3A_464 = arith.constant 1 : i32
        %add3A_465 = arith.addi %scan3A_224, %add3A_464 : i32
        %select_n3A_466 = arith.select %or3A_463, %add3A_465, %scan3A_224 : i32
        %select_n3A_467 = arith.constant true
        %select_n3A_468 = arith.constant 0 : i32
        %select_n3A_469 = arith.constant 1 : i32
        %select_n3A_470 = arith.select %select_n3A_467, %select_n3A_469, %select_n3A_468 : i32
        %eq3A_471 = arith.constant 1 : i32
        %eq3A_472 = arith.cmpi eq, %select_n3A_470, %eq3A_471 : i32
        %select_n3A_473 = arith.constant 0 : i32
        %select_n3A_474 = arith.select %eq3A_472, %select_n3A_473, %select_n3A_470 : i32
        %add3A_475 = arith.constant 1 : i32
        %add3A_476 = arith.addi %scan3A_227, %add3A_475 : i32
        %select_n3A_477 = arith.select %eq3A_472, %add3A_476, %scan3A_227 : i32
        %eq3A_478 = arith.constant 400 : i32
        %eq3A_479 = arith.cmpi eq, %select_n3A_477, %eq3A_478 : i32
        %select_n3A_480 = arith.constant 0 : i32
        %select_n3A_481 = arith.select %eq3A_479, %select_n3A_480, %select_n3A_477 : i32
        %scan3A_482 = arith.constant 0 : i32
        scf.yield %select_n3A_304, %select_n3A_457, %select_n3A_322, %select_n3A_466, %select_n3A_406, %select_n3A_448, %select_n3A_481, %scan3A_482 : i32, i32, i32, i32, i32, i32, i32, i32
      }
      %scan3A_127 = arith.constant 400 : i32
      %sub3A = arith.constant 1 : i32
      %sub3A_128 = arith.subi %scan3A_126#7, %sub3A : i32
      %select_n3A_129 = arith.constant true
      %select_n3A_130 = arith.select %select_n3A_129, %sub3A_128, %scan3A_126#7 : i32
      %eq3A_131 = arith.constant -1 : i32
      %eq3A_132 = arith.cmpi eq, %select_n3A_130, %eq3A_131 : i32
      %select_n3A_133 = arith.constant 0 : i32
      %select_n3A_134 = arith.select %eq3A_132, %select_n3A_133, %select_n3A_130 : i32
      %sub3A_135 = arith.constant 1 : i32
      %sub3A_136 = arith.subi %scan3A_126#6, %sub3A_135 : i32
      %select_n3A_137 = arith.select %eq3A_132, %sub3A_136, %scan3A_126#6 : i32
      %eq3A_138 = arith.constant -1 : i32
      %eq3A_139 = arith.cmpi eq, %select_n3A_137, %eq3A_138 : i32
      %select_n3A_140 = arith.constant 399 : i32
      %select_n3A_141 = arith.select %eq3A_139, %select_n3A_140, %select_n3A_137 : i32
      %add3A_142 = arith.constant 0 : i32
      %add3A_143 = arith.addi %select_n3A_141, %add3A_142 : i32
      %add3A_144 = arith.constant 0 : i32
      %add3A_145 = arith.addi %add3A_144, %mul3A_6 : i32
      %select_n3A_146 = arith.constant true
      %select_n3A_147 = arith.constant 0 : i32
      %select_n3A_148 = arith.constant -1 : i32
      %select_n3A_149 = arith.select %select_n3A_146, %select_n3A_148, %select_n3A_147 : i32
      %eq3A_150 = arith.constant -1 : i32
      %eq3A_151 = arith.cmpi eq, %select_n3A_149, %eq3A_150 : i32
      %select_n3A_152 = arith.constant 0 : i32
      %select_n3A_153 = arith.select %eq3A_151, %select_n3A_152, %select_n3A_149 : i32
      %sub3A_154 = arith.constant 1 : i32
      %sub3A_155 = arith.subi %select_n3A_141, %sub3A_154 : i32
      %select_n3A_156 = arith.select %eq3A_151, %sub3A_155, %select_n3A_141 : i32
      %eq3A_157 = arith.constant -1 : i32
      %eq3A_158 = arith.cmpi eq, %select_n3A_156, %eq3A_157 : i32
      %select_n3A_159 = arith.constant 399 : i32
      %select_n3A_160 = arith.select %eq3A_158, %select_n3A_159, %select_n3A_156 : i32
      %add3A_161 = arith.constant 0 : i32
      %add3A_162 = arith.addi %select_n3A_160, %add3A_161 : i32
      %add3A_163 = arith.constant 0 : i32
      %add3A_164 = arith.addi %add3A_163, %mul3A_6 : i32
      %select_n3A_165 = arith.constant true
      %select_n3A_166 = arith.constant 0 : i32
      %select_n3A_167 = arith.constant 1 : i32
      %select_n3A_168 = arith.select %select_n3A_165, %select_n3A_167, %select_n3A_166 : i32
      %eq3A_169 = arith.constant 1 : i32
      %eq3A_170 = arith.cmpi eq, %select_n3A_168, %eq3A_169 : i32
      %select_n3A_171 = arith.constant 0 : i32
      %select_n3A_172 = arith.select %eq3A_170, %select_n3A_171, %select_n3A_168 : i32
      %add3A_173 = arith.constant 1 : i32
      %add3A_174 = arith.addi %select_n3A_141, %add3A_173 : i32
      %select_n3A_175 = arith.select %eq3A_170, %add3A_174, %select_n3A_141 : i32
      %eq3A_176 = arith.constant 400 : i32
      %eq3A_177 = arith.cmpi eq, %select_n3A_175, %eq3A_176 : i32
      %select_n3A_178 = arith.constant 0 : i32
      %select_n3A_179 = arith.select %eq3A_177, %select_n3A_178, %select_n3A_175 : i32
      %add3A_180 = arith.constant 0 : i32
      %add3A_181 = arith.addi %select_n3A_179, %add3A_180 : i32
      %add3A_182 = arith.constant 0 : i32
      %add3A_183 = arith.addi %add3A_182, %mul3A_6 : i32
      %select_n3A_184 = arith.constant true
      %select_n3A_185 = arith.constant 0 : i32
      %select_n3A_186 = arith.constant 1 : i32
      %select_n3A_187 = arith.select %select_n3A_184, %select_n3A_186, %select_n3A_185 : i32
      %eq3A_188 = arith.constant 1 : i32
      %eq3A_189 = arith.cmpi eq, %select_n3A_187, %eq3A_188 : i32
      %select_n3A_190 = arith.constant 0 : i32
      %select_n3A_191 = arith.select %eq3A_189, %select_n3A_190, %select_n3A_187 : i32
      %add3A_192 = arith.constant 1 : i32
      %add3A_193 = arith.addi %select_n3A_179, %add3A_192 : i32
      %select_n3A_194 = arith.select %eq3A_189, %add3A_193, %select_n3A_179 : i32
      %eq3A_195 = arith.constant 400 : i32
      %eq3A_196 = arith.cmpi eq, %select_n3A_194, %eq3A_195 : i32
      %select_n3A_197 = arith.constant 0 : i32
      %select_n3A_198 = arith.select %eq3A_196, %select_n3A_197, %select_n3A_194 : i32
      %add3A_199 = arith.constant 0 : i32
      %add3A_200 = arith.addi %select_n3A_198, %add3A_199 : i32
      %add3A_201 = arith.constant 0 : i32
      %add3A_202 = arith.addi %add3A_201, %mul3A_6 : i32
      "tpu.trace_start"() <{level = 10 : i32, message = "ep_finalize"}> : () -> ()
      %rem3A_203 = arith.constant 2 : i32
      %rem3A_204 = arith.remui %scan3A_126#5, %rem3A_203 : i32
      %mul3A_205 = arith.constant 32 : i32
      %mul3A_206 = arith.muli %mul3A_205, %add3A_143 : i32
      %mul3A_207 = arith.constant 128 : i32
      %mul3A_208 = arith.muli %mul3A_207, %add3A_145 : i32
      %dma_wait3A = arith.constant 0 : i32
      %dma_wait3A_209 = arith.constant 0 : i32
      %dma_wait3A_210 = tpu.memref_slice %run_scoped3A_10[%rem3A_204, %dma_wait3A, %dma_wait3A_209] : memref<2x32x128xf32, #tpu.memory_space<vmem>> -> memref<1x32x128xf32, #tpu.memory_space<vmem>>
      %dma_wait3A_211 = tpu.memref_squeeze %dma_wait3A_210 : memref<1x32x128xf32, #tpu.memory_space<vmem>> -> memref<32x128xf32, #tpu.memory_space<vmem>>
      %dma_wait3A_212 = tpu.memref_slice %arg4[%mul3A_206, %mul3A_208] : memref<12800x4096xf32, #tpu.memory_space<hbm>> -> memref<32x128xf32, #tpu.memory_space<hbm>>
      %dma_wait3A_213 = tpu.memref_slice %run_scoped3A_11[%rem3A_204] : memref<2x!tpu.dma_semaphore, #tpu.memory_space<semaphore_mem>> -> memref<1x!tpu.dma_semaphore, #tpu.memory_space<semaphore_mem>>
      %dma_wait3A_214 = tpu.memref_squeeze %dma_wait3A_213 : memref<1x!tpu.dma_semaphore, #tpu.memory_space<semaphore_mem>> -> memref<!tpu.dma_semaphore, #tpu.memory_space<semaphore_mem>>
      %dma_wait3A_215 = tpu.memref_slice %arg4[%mul3A_206, %mul3A_208] : memref<12800x4096xf32, #tpu.memory_space<hbm>> -> memref<32x128xf32, #tpu.memory_space<hbm>>
      %dma_wait3A_216 = arith.constant 0 : i32
      %dma_wait3A_217 = arith.constant 0 : i32
      %dma_wait3A_218 = tpu.memref_slice %run_scoped3A_10[%rem3A_204, %dma_wait3A_216, %dma_wait3A_217] : memref<2x32x128xf32, #tpu.memory_space<vmem>> -> memref<1x32x128xf32, #tpu.memory_space<vmem>>
      %dma_wait3A_219 = tpu.memref_squeeze %dma_wait3A_218 : memref<1x32x128xf32, #tpu.memory_space<vmem>> -> memref<32x128xf32, #tpu.memory_space<vmem>>
      tpu.wait_dma2 semaphore(%dma_wait3A_214 : memref<!tpu.dma_semaphore, #tpu.memory_space<semaphore_mem>>) src(%dma_wait3A_219 : memref<32x128xf32, #tpu.memory_space<vmem>>) dst(%dma_wait3A_215 : memref<32x128xf32, #tpu.memory_space<hbm>>)
      "tpu.trace_stop"() : () -> ()
      tpu.yield
    }) : () -> ()
    return
  }
}

</mosaic_0001>

<sc_bundles>
// kernel: kernel.3.cloned.1.call-start
scs
__scs_entry_jumppad:
0x0: {  	(pc) =	sbr.rel $0x88, $3  }
0x1: {  	(tag) =	ssettag $0x0;
	lr =	simm.s32 $0x1  }
0x2: {  	[smem:$0x3F9F] =	sst lr;
	_ =	strace $0xD0000000  }
0x3: {  	_ = 	snop  }
0x4: {  	_ = 	snop  }
0x5: {  	_ = 	snop  }
0x6: {  	_ = 	snop  }
0x7: {  	_ = 	snop  }
__scs_overlays_trampoline_lowered:
0x8: {  	[smem:$0x3FAE] =	sst s0  }
0x9: {  	[smem:$0x3FAF] =	sst s1  }
0xa: {  	[smem:$0x3FB0] =	sst s2  }
0xb: {  	[smem:$0x3FB1] =	sst s3  }
0xc: {  	[smem:$0x3FB2] =	sst s4  }
0xd: {  	[smem:$0x3FB3] =	sst s5  }
0xe: {  	[smem:$0x3FB4] =	sst s6  }
0xf: {  	[smem:$0x3FB5] =	sst s7  }
0x10: {  	[smem:$0x3FB6] =	sst s8  }
0x11: {  	[smem:$0x3FB7] =	sst s9;
	s0 =	simm.s32 @!p0 $0x0  }
0x12: {  	s1 =	sld [smem:$0x3F9D];
	s0 =	simm.s32 @p0 $0x1  }
0x13: {  	[smem:$0x3FB8] =	sst s0;
	s0 =	simm.s32 @!p1 $0x0  }
0x14: {  	s2 =	sld [smem:$0x3F9C];
	s0 =	simm.s32 @p1 $0x1  }
0x15: {  	[smem:$0x3FB9] =	sst s0;
	s0 =	simm.s32 @!p2 $0x0  }
0x16: {  	s3 =	sld [smem:$0x3FDB];
	s0 =	simm.s32 @p2 $0x1  }
0x17: {  	s4 =	simm.s32 $0x1BF5;
	[smem:$0x3FBB] =	sst s0  }
0x18: {  	s0 =	sld [smem:$0x3F9E];
	_ =	swait.ge [sflag:s4], $0x0  }
0x19: {  	s7 =	sld [smem:$0x3F9F]  }
0x1a: {  	s8 =	sadd.s32 $0xFFFFE003, lr  }
0x1b: {  	s9 =	sadd.s32 $0xFFFFFEF7, lr;
	s5 =	simm.s32 $0xFFFFFFFF;
	p2 =	slt.u32 s8, $0xFFFFF086  }
0x1c: {  	p1 =	slt.u32 s9, $0xF7A;
	s5 =	simm.s32 @!p2 $0x0  }
0x1d: {  	s5 =	simm.s32 @p1 $0x1;
	p0 =	seq.s32 s7, s2  }
0x1e: {  	s7 =	smul.u32 @!p0 $0xF7A, s2;
	p2 =	seq.s32 @!p0 s5, $0x0  }
0x1f: {  	s9 =	smul.u32 $0xF7A, s1;
	s8 =	simm.s32 @!p0 $0x1BF5;
	p2 =	por !p2, p0  }
0x20: {  	[sflag:s8] =	ssyncset.s32 @!p0 $0xFFFFF086;
	s6 =	sadd.s32 @!p0 s3, s7;
	s7 =	simm.s32 @!p0 $0x108  }
0x21: {  	s3 =	sadd.s32 s3, s9;
	s6 =	sadd.s32 @!p0 $0x88, s6;
	s7 =	simm.s32 @p2 $0x1082  }
0x22: {  	[simem:s7], [sflag:s8] =	dma.local @!p0 [hbm:s6], $0xF7A  }
0x23: {  	s9 =	sor.u32 $0xD0000000, s2;
	s6 =	simm.s32 $0x108;
	_ =	swait.ge @!p0 [sflag:s8], $0x0  }
0x24: {  	s3 =	sadd.s32 $0x88, s3;
	s6 =	simm.s32 @!p1 $0x1082;
	[sflag:s4] =	ssyncset.s32 $0xFFFFF086  }
0x25: {  	[simem:s6], [sflag:s4] =	dma.local [hbm:s3], $0xF7A  }
0x26: {  	[smem:$0x3F9F] =	sst s1;
	(tag) =	ssettag s2;
	_ =	strace s9  }
0x27: {  	s1 =	sld [smem:$0x3FAF]  }
0x28: {  	s2 =	sld [smem:$0x3FB0]  }
0x29: {  	s4 =	sld [smem:$0x3FB2]  }
0x2a: {  	p0 =	seq.s32 s5, $0x0;
	s5 =	sld [smem:$0x3FB3]  }
0x2b: {  	s6 =	sld [smem:$0x3FB4]  }
0x2c: {  	s7 =	sld [smem:$0x3FB5]  }
0x2d: {  	s3 =	simm.s32 $0x108;
	s8 =	sld [smem:$0x3FB6]  }
0x2e: {  	s3 =	simm.s32 @!p0 $0x1082;
	s9 =	sld [smem:$0x3FB7]  }
0x2f: {  	lr =	sadd.s32 s0, s3;
	s0 =	sld [smem:$0x3FAE]  }
0x30: {  	s3 =	sld [smem:$0x3FB1]  }
0x31: {  	[smem:$0x3FBA] =	sst s10  }
0x32: {  	s10 =	sld [smem:$0x3FB8];
	_ =	sdelay $0x3  }
0x33: {  	p0 =	seq.s32 s10, $0x1;
	s10 =	sld [smem:$0x3FBA];
	_ =	sdelay $0x3  }
0x34: {  	[smem:$0x3FBA] =	sst s10  }
0x35: {  	s10 =	sld [smem:$0x3FB9];
	_ =	sdelay $0x3  }
0x36: {  	p1 =	seq.s32 s10, $0x1;
	s10 =	sld [smem:$0x3FBA];
	_ =	sdelay $0x3  }
0x37: {  	[smem:$0x3FBA] =	sst s10  }
0x38: {  	s10 =	sld [smem:$0x3FBB]  }
0x39: {  	_ = 	snop;
	(pc) =	sbr.ind lr, $3  }
0x3a: {  	_ = 	snop  }
0x3b: {  	_ = 	snop  }
0x3c: {  	p2 =	seq.s32 s10, $0x1;
	s10 =	sld [smem:$0x3FBA]  }
0x3d: {  	_ =	shalt  }
0x3e: {  	_ =	shalt  }
0x3f: {  	_ =	shalt  }
0x40: {  	_ =	shalt  }
0x41: {  	_ =	shalt  }
0x42: {  	_ =	shalt  }
0x43: {  	_ =	shalt  }
0x44: {  	_ =	shalt  }
0x45: {  	_ =	shalt  }
0x46: {  	_ =	shalt  }
0x47: {  	_ =	shalt  }
0x48: {  	_ =	shalt  }
0x49: {  	_ =	shalt  }
0x4a: {  	_ =	shalt  }
0x4b: {  	_ =	shalt  }
0x4c: {  	_ =	shalt  }
0x4d: {  	_ =	shalt  }
0x4e: {  	_ =	shalt  }
0x4f: {  	_ =	shalt  }
0x50: {  	_ =	shalt  }
0x51: {  	_ =	shalt  }
0x52: {  	_ =	shalt  }
0x53: {  	_ =	shalt  }
0x54: {  	_ =	shalt  }
0x55: {  	_ =	shalt  }
0x56: {  	_ =	shalt  }
0x57: {  	_ =	shalt  }
0x58: {  	_ =	shalt  }
0x59: {  	_ =	shalt  }
0x5a: {  	_ =	shalt  }
0x5b: {  	_ =	shalt  }
0x5c: {  	_ =	shalt  }
0x5d: {  	_ =	shalt  }
0x5e: {  	_ =	shalt  }
0x5f: {  	_ =	shalt  }
0x60: {  	_ =	shalt  }
0x61: {  	_ =	shalt  }
0x62: {  	_ =	shalt  }
0x63: {  	_ =	shalt  }
0x64: {  	_ =	shalt  }
0x65: {  	_ =	shalt  }
0x66: {  	_ =	shalt  }
0x67: {  	_ =	shalt  }
0x68: {  	_ =	shalt  }
0x69: {  	_ =	shalt  }
0x6a: {  	_ =	shalt  }
0x6b: {  	_ =	shalt  }
0x6c: {  	_ =	shalt  }
0x6d: {  	_ =	shalt  }
0x6e: {  	_ =	shalt  }
0x6f: {  	_ =	shalt  }
0x70: {  	_ =	shalt  }
0x71: {  	_ =	shalt  }
0x72: {  	_ =	shalt  }
0x73: {  	_ =	shalt  }
0x74: {  	_ =	shalt  }
0x75: {  	_ =	shalt  }
0x76: {  	_ =	shalt  }
0x77: {  	_ =	shalt  }
0x78: {  	_ =	shalt  }
0x79: {  	_ =	shalt  }
0x7a: {  	_ =	shalt  }
0x7b: {  	_ =	shalt  }
0x7c: {  	_ =	shalt  }
0x7d: {  	_ =	shalt  }
0x7e: {  	_ =	shalt  }
0x7f: {  	_ =	shalt  }
0x80: {  	_ =	shalt  }
0x81: {  	_ =	shalt  }
0x82: {  	_ =	shalt  }
0x83: {  	_ =	shalt  }
0x84: {  	_ =	shalt  }
0x85: {  	_ =	shalt  }
0x86: {  	_ =	shalt  }
0x87: {  	_ =	shalt  }
.Lfunc_end0:
.L_simem_size_0:
called_computation_lowered:
.L_overlay_start_0:
0x88: {  	s2 =	sld [smem:$0x3FD9]  }
0x89: {  	s3 =	sld [smem:$0x3FFE];
	_ =	sdelay $0x1  }
0x8a: {  	s1 =	srdreg.scid  }
0x8b: {  	s0 =	sand.u32 $0x1, s1  }
0x8c: {  	s17 =	sshll.u32 s0, $0xA;
	s2 =	sadd.s32 s3, s2  }
0x8d: {  	s2 =	sadd.s32 s2, s17  }
0x8e: {  	[smem:$0x3FC6] =	sst s2  }
0x8f: {  	_ = 	snop  }
0x90: {  	s2 =	sld [smem:$0x3FC9]  }
0x91: {  	s18 =	sld [smem:$0x3FD0];
	(tm) =	ssettm $0x1  }
0x92: {  	s4 =	sld [smem:$0x3FFB];
	_ =	sdelay $0x3  }
0x93: {  	_ =	strace s4  }
0x94: {  	s4 =	sld [smem:$0x3FFC];
	_ =	sdelay $0x3  }
0x95: {  	_ =	strace s4  }
0x96: {  	s4 =	sld [smem:$0x3FFD];
	_ =	sdelay $0x3  }
0x97: {  	_ =	strace s4  }
0x98: {  	_ =	strace $0x8FFFFFFF  }
0x99: {  	s19 =	sld [smem:$0x3FDB];
	_ =	sdelay $0x1  }
0x9a: {  	s5 =	simm.s32 $_scs_section_size  }
0x9b: {  	s6 =	simm.s32 $_size__tile_overlayer_lowered;
	s7 =	simm.s32 $_tile_overlayer_lowered  }
0x9c: {  	s22 =	simm.s32 $0x1BFF;
	s21 =	sshll.u32 s7, $0x1;
	s4 =	sadd.s32 s5, s19  }
0x9d: {  	s8 =	simm.s32 $0x0;
	s20 =	sshll.u32 s6, $0x1;
	s6 =	sadd.s32 s21, s4  }
0x9e: {  	[timem:s8], [sflag:s22] =	dma.local [hbm:s6], s20  }
0x9f: {  	_ =	swait.ge [sflag:s22], s20  }
0xa0: {  	s5 =	ssub.s32 $0x0, s20;
	[sflag:s22] =	ssyncset.done $0x0  }
0xa1: {  	[sflag:s22] =	ssyncadd.s32 s5;
	_ =	sdelay $0x1  }
0xa2: {  	s23 =	simm.s32 $0x1B8B  }
0xa3: {  	_ =	swait.ge [sflag:s23], $0x1  }
0xa4: {  	[sflag:s23] =	ssyncset.done $0x0  }
0xa5: {  	s25 =	simm.s32 $0x1B8E;
	s24 =	sld [smem:$0x3FFE];
	[sflag:s23] =	ssyncadd.s32 $0xFFFFFFFF  }
0xa6: {  	s26 =	simm.s32 $execute0_lowered;
	[smem:$0x3FD2] =	sst s25  }
0xa7: {  	s6 =	sshll.u32 s26, $0x1;
	_ =	strace $0x80000046;
	[dreg:$0x1] =	wrdreg $0xFFFFFFFF  }
0xa8: {  	s28 =	simm.s32 $_size_execute0_lowered;
	s4 =	sadd.s32 s4, s6;
	[dreg:$0x0] =	wrdreg $0x0  }
0xa9: {  	s6 =	sshll.u32 s28, $0x1;
	[dreg:$0x2] =	wrdreg s4  }
0xaa: {  	[dreg:$0x3] =	wrdreg s6  }
0xab: {  	[dreg:$0x4] =	wrdreg $0xC0  }
0xac: {  	_ =	task [dreg:s8], $0x5FFFF  }
0xad: {  	[dreg:$0x1] =	wrdreg $0xFFFFFFFF  }
0xae: {  	[dreg:$0x0] =	wrdreg $0x60  }
0xaf: {  	[dreg:$0x2] =	wrdreg s2  }
0xb0: {  	[dreg:$0x3] =	wrdreg s24  }
0xb1: {  	[dreg:$0x4] =	wrdreg s18  }
0xb2: {  	[dreg:$0x5] =	wrdreg $0x9  }
0xb3: {  	_ =	task.clear_ibuf [dreg:s8], $0x6FFFF;
	_ =	strace $0x90000046  }
0xb4: {  	s29 =	simm.s32 $0x9;
	_ =	strace $0x80000051  }
0xb5: {  	_ =	swait.ge [sflag:s29], $0x1  }
0xb6: {  	[sflag:s29] =	ssyncadd.s32 $0xFFFFFFFF  }
0xb7: {  	_ =	strace $0x90000051  }
0xb8: {  	_ =	sfence  }
0xb9: {  	s30 =	sld [smem:$0x0];
	_ =	sdelay $0x2  }
0xba: {  	s31 =	sshll.u32 s1, $0xD;
	s1 =	sshrl.u32 s1, $0x2  }
0xbb: {  	s3 =	sand.u32 $0x4000, s31;
	s1 =	sadd.s32 s1, s30  }
0xbc: {  	s0 =	sor.u32 s3, s0;
	s1 =	sshll.u32 s1, $0x11  }
0xbd: {  	s0 =	sor.u32 s1, s0  }
0xbe: {  	s0 =	sadd.s32 $0x8F2B, s0  }
0xbf: {  	[sflag:s0] =	ssyncadd.remote.s32 $0x1  }
0xc0: {  	_ =	sfence.sel $0xFFFF  }
0xc1: {  	[dreg:$0x0] =	wrdreg $0xFFFFFFFF;
	(pc) =	sbr.abs _section_cstart, $3  }
0xc2: {  	[dreg:$0x1] =	wrdreg $0xFFFFFFFF  }
0xc3: {  	_ =	task.clear_ibuf [dreg:s8], $0x2FFFF;
	_ =	strace $0x9FFFFFFF  }
0xc4: {  	(tm) =	ssettm $0x7FFFFFFF  }
0xc5: {  	_ =	shalt  }
tec
execute0_lowered:
.L_overlay_start_1:
0x0: {  	(tag) =	ssettag $0x1  }
0x1: {  	s1 =	rddreg [dreg:$0x0]  }
0x2: {  	s6 =	rddreg [dreg:$0x1]  }
0x3: {  	s2 =	rddreg [dreg:$0x2]  }
0x4: {  	s0 =	rddreg [dreg:$0x3];
	s4 =	simm.s32 $0x0;
	s5 =	srdreg.scid  }
0x5: {  	s3 =	stileid.u32;
	s10 =	simm.s32 $0x8000;
	s11 =	simm.s32 $0x2000  }
0x6: {  	s12 =	simm.s32 $0x0;
	[smem:$0x7FF] =	sst s4;
	s5 =	sand.u32 $0x1, s5  }
0x7: {  	s8 =	sshll.u32 s3, $0xA;
	s7 =	ssub.s32 $0x2, s5;
	s5 =	sshll.u32 s5, $0xE  }
0x8: {  	s6 =	sadd.s32 $0x400, s6;
	s9 =	sshrl.u32 s7, $0x1;
	s5 =	sor.u32 s8, s5  }
0x9: {  	_ =	strace $0x80000047;
	s30 =	ssub.s32 s7, s9;
	s31 =	sshrl.u32 s5, $0x3  }
0xa: {  	s9 =	simm.s32 $0x400;
	s7 =	sadd.s32 s1, s31;
	s8 =	smax.u32 s30, $0x1  }
.LBB2_1:
0xb: {  	_ =	strace $0x80000048  }
0xc: {  	s21 =	simm.s32 $0x0;
	s13 =	simm.s32 $0x0;
	s14 =	simm.s32 $0x0  }
0xd: {  	[tilespmem:s4], [sflag:$0x1] =	stream.strided.gather [hbm4b:s7+s9], $0x1000, s10, s9, $0x200038;
	[tilespmem:$0x6000] =	vst v63  }
0xe: {  	s15 =	simm.s32 $0x0;
	s16 =	simm.s32 $0x1;
	s17 =	simm.s32 $0x0  }
0xf: {  	[tilespmem:s11], [sflag:$0x3] =	stream.linear.gather [hbm4b:s6+s4], $0x1000, $0x200038;
	[tilespmem:$0x6000] =	vst v63  }
0x10: {  	s18 =	simm.s32 $0x1;
	s19 =	simm.s32 $0x0;
	_ =	strace $0x90000048  }
.LBB2_2:
0x11: {  	s20 =	sadd.s32 $0x1, s21  }
0x12: {  	p0 =	seq.s32 s20, $0x190  }
0x13: {  	s20 =	simm.s32 @p0 $0x0;
	p0 =	seq.s32 s19, $0x18F  }
0x14: {  	p1 =	seq.s32 @!p0 s21, s20  }
0x15: {  	p2 =	por p1, p0  }
0x16: {  	s22 =	sshll.u32 @!p2 s20, $0x11  }
0x17: {  	_ =	strace @!p2 $0x80000049;
	s23 =	sand.u32 @!p2 $0x1, s18;
	s22 =	sor.u32 @!p2 s5, s22  }
0x18: {  	s26 =	simm.s32 @!p2 $0x400;
	s28 =	simm.s32 @!p2 $0x8000;
	s22 =	sshrl.u32 @!p2 s22, $0x3  }
0x19: {  	s24 =	sshll.u32 @!p2 s23, $0xC;
	s23 =	sadd.s32 @!p2 $0x1, s23;
	s22 =	sadd.s32 @!p2 s1, s22  }
0x1a: {  	[tilespmem:s24], [sflag:s23] =	stream.strided.gather @!p2 [hbm4b:s22+s26], $0x1000, s28, s26, $0x200038;
	[tilespmem:$0x6000] =	vst v63  }
0x1b: {  	s22 =	sand.u32 @!p2 $0x1, s16  }
0x1c: {  	s24 =	sshll.u32 @!p2 s20, $0x9;
	s26 =	simm.s32 @!p2 $0x0;
	_ =	strace @!p2 $0x90000049  }
0x1d: {  	s23 =	sshll.u32 @!p2 s22, $0xC;
	s24 =	sand.u32 @!p2 $0x1FFFFE00, s24;
	s22 =	sadd.s32 @!p2 $0x3, s22  }
0x1e: {  	_ =	strace @!p2 $0x8000004A;
	s23 =	sor.u32 @!p2 $0x2000, s23;
	s24 =	sadd.s32 @!p2 s6, s24  }
0x1f: {  	[tilespmem:s23], [sflag:s22] =	stream.linear.gather @!p2 [hbm4b:s24+s26], $0x1000, $0x200038;
	[tilespmem:$0x6000] =	vst v63  }
0x20: {  	s24 =	sand.u32 $0x1, s17;
	_ =	strace @!p2 $0x9000004A  }
0x21: {  	s26 =	sadd.s32 $0x1, s24;
	_ =	strace $0x8000004B  }
0x22: {  	_ =	swait.ge [sflag:s26], $0x1000  }
0x23: {  	[sflag:s26] =	ssyncset.done $0x0  }
0x24: {  	s28 =	sand.u32 $0x1, s15;
	[sflag:s26] =	ssyncadd.s32 $0xFFFFF000  }
0x25: {  	s29 =	sadd.s32 $0x3, s28;
	s22 =	sshll.u32 s24, $0xC;
	_ =	strace $0x9000004B  }
0x26: {  	s23 =	sshll.u32 s28, $0xC;
	s22 =	sor.u32 $0x40, s22;
	_ =	strace $0x8000004C  }
0x27: {  	s23 =	sor.u32 $0x2070, s23;
	v0 =	vmov s22;
	_ =	swait.ge [sflag:s29], $0x1000  }
0x28: {  	v1 =	vmov s23;
	[sflag:s29] =	ssyncset.done $0x0  }
0x29: {  	[sflag:s29] =	ssyncadd.s32 $0xFFFFF000  }
0x2a: {  	_ =	strace $0x9000004C  }
0x2b: {  	s23 =	simm.s32 $0x0;
	_ =	strace $0x8000004D  }
0x2c: {  	s22 =	sand.u32 $0x1, s14;
	v3 =	vld.idx.msk [tilespmem:v0+s23+$0xFFFFFFC0 ss:$0x1], $0xffff  }
0x2d: {  	s30 =	sshll.u32 s22, $0xC;
	v4 =	vld.idx.msk [tilespmem:v1+s23+$0xFFFFFF90 ss:$0x1], $0xffff  }
0x2e: {  	s31 =	sor.u32 $0x4070, s30  }
0x2f: {  	v2 =	vmov s31;
	_ =	sdelay $0x2  }
0x30: {  	v3 =	vadd.f32 v4, v3;
	_ =	sdelay $0x1  }
0x31: {  	[tilespmem:v2+s23+$0xFFFFFF90 ss:$0x1] =	vst.idx.msk $0xffff, v3  }
0x32: {  	v3 =	vld.idx.msk [tilespmem:v0+s23+$0xFFFFFFD0 ss:$0x1], $0xffff  }
0x33: {  	v4 =	vld.idx.msk [tilespmem:v1+s23+$0xFFFFFFA0 ss:$0x1], $0xffff;
	_ =	sdelay $0x4  }
0x34: {  	v3 =	vadd.f32 v4, v3;
	_ =	sdelay $0x1  }
0x35: {  	[tilespmem:v2+s23+$0xFFFFFFA0 ss:$0x1] =	vst.idx.msk $0xffff, v3  }
0x36: {  	v3 =	vld.idx.msk [tilespmem:v0+s23+$0xFFFFFFE0 ss:$0x1], $0xffff  }
0x37: {  	v4 =	vld.idx.msk [tilespmem:v1+s23+$0xFFFFFFB0 ss:$0x1], $0xffff;
	_ =	sdelay $0x4  }
0x38: {  	v3 =	vadd.f32 v4, v3;
	_ =	sdelay $0x1  }
0x39: {  	[tilespmem:v2+s23+$0xFFFFFFB0 ss:$0x1] =	vst.idx.msk $0xffff, v3  }
0x3a: {  	v3 =	vld.idx.msk [tilespmem:v0+s23+$0xFFFFFFF0 ss:$0x1], $0xffff  }
0x3b: {  	v4 =	vld.idx.msk [tilespmem:v1+s23+$0xFFFFFFC0 ss:$0x1], $0xffff;
	_ =	sdelay $0x4  }
0x3c: {  	v3 =	vadd.f32 v4, v3;
	_ =	sdelay $0x1  }
0x3d: {  	[tilespmem:v2+s23+$0xFFFFFFC0 ss:$0x1] =	vst.idx.msk $0xffff, v3  }
0x3e: {  	v3 =	vld.idx.msk [tilespmem:v0+s23+$0x0 ss:$0x1], $0xffff  }
0x3f: {  	v4 =	vld.idx.msk [tilespmem:v1+s23+$0xFFFFFFD0 ss:$0x1], $0xffff;
	_ =	sdelay $0x4  }
0x40: {  	v3 =	vadd.f32 v4, v3;
	_ =	sdelay $0x1  }
0x41: {  	[tilespmem:v2+s23+$0xFFFFFFD0 ss:$0x1] =	vst.idx.msk $0xffff, v3  }
0x42: {  	v3 =	vld.idx.msk [tilespmem:v0+s23+$0x10 ss:$0x1], $0xffff  }
0x43: {  	v4 =	vld.idx.msk [tilespmem:v1+s23+$0xFFFFFFE0 ss:$0x1], $0xffff;
	_ =	sdelay $0x4  }
0x44: {  	v3 =	vadd.f32 v4, v3;
	_ =	sdelay $0x1  }
0x45: {  	[tilespmem:v2+s23+$0xFFFFFFE0 ss:$0x1] =	vst.idx.msk $0xffff, v3  }
0x46: {  	v3 =	vld.idx.msk [tilespmem:v0+s23+$0x20 ss:$0x1], $0xffff  }
0x47: {  	v4 =	vld.idx.msk [tilespmem:v1+s23+$0xFFFFFFF0 ss:$0x1], $0xffff;
	_ =	sdelay $0x4  }
0x48: {  	p1 =	por !p1, p0;
	s24 =	sadd.s32 @!p2 $0x1, s18;
	v3 =	vadd.f32 v4, v3  }
0x49: {  	s25 =	smov.u32 s18;
	s18 =	smov.u32 @p1 s24;
	s24 =	simm.s32 $0x0  }
0x4a: {  	s24 =	simm.s32 @p1 $0x1;
	s18 =	smov.u32 @p0 s25;
	[tilespmem:v2+s23+$0xFFFFFFF0 ss:$0x1] =	vst.idx.msk $0xffff, v3  }
0x4b: {  	s24 =	simm.s32 @p0 $0x0;
	s25 =	sor.u32 $0x4000, s30;
	s26 =	simm.s32 $0x200;
	v3 =	vld.idx.msk [tilespmem:v0+s23+$0x30 ss:$0x1], $0xffff  }
.LBB2_3:
0x4c: {  	p1 =	sne.s32 s26, $0x3E00;
	v4 =	vld.idx.msk [tilespmem:v1+s23+$0x0 ss:$0x1], $0xffff;
	s28 =	smov.u32 s26;
	s26 =	sadd.s32 $0x200, s26  }
0x4d: {  	_ =	sdelay $0x4  }
0x4e: {  	v3 =	vadd.f32 v4, v3;
	_ =	sdelay $0x1  }
0x4f: {  	[tilespmem:v2+s23+$0x0 ss:$0x1] =	vst.idx.msk $0xffff, v3;
	s23 =	sshra.s32 s28, $0x2  }
0x50: {  	v3 =	vld.idx.msk [tilespmem:v0+s23+$0xFFFFFFC0 ss:$0x1], $0xffff  }
0x51: {  	v4 =	vld.idx.msk [tilespmem:v1+s23+$0xFFFFFF90 ss:$0x1], $0xffff;
	_ =	sdelay $0x5  }
0x52: {  	v3 =	vadd.f32 v4, v3;
	_ =	sdelay $0x1  }
0x53: {  	[tilespmem:v2+s23+$0xFFFFFF90 ss:$0x1] =	vst.idx.msk $0xffff, v3  }
0x54: {  	v3 =	vld.idx.msk [tilespmem:v0+s23+$0xFFFFFFD0 ss:$0x1], $0xffff  }
0x55: {  	v4 =	vld.idx.msk [tilespmem:v1+s23+$0xFFFFFFA0 ss:$0x1], $0xffff;
	_ =	sdelay $0x5  }
0x56: {  	v3 =	vadd.f32 v4, v3;
	_ =	sdelay $0x1  }
0x57: {  	[tilespmem:v2+s23+$0xFFFFFFA0 ss:$0x1] =	vst.idx.msk $0xffff, v3  }
0x58: {  	v3 =	vld.idx.msk [tilespmem:v0+s23+$0xFFFFFFE0 ss:$0x1], $0xffff  }
0x59: {  	v4 =	vld.idx.msk [tilespmem:v1+s23+$0xFFFFFFB0 ss:$0x1], $0xffff;
	_ =	sdelay $0x5  }
0x5a: {  	v3 =	vadd.f32 v4, v3;
	_ =	sdelay $0x1  }
0x5b: {  	[tilespmem:v2+s23+$0xFFFFFFB0 ss:$0x1] =	vst.idx.msk $0xffff, v3  }
0x5c: {  	v3 =	vld.idx.msk [tilespmem:v0+s23+$0xFFFFFFF0 ss:$0x1], $0xffff  }
0x5d: {  	v4 =	vld.idx.msk [tilespmem:v1+s23+$0xFFFFFFC0 ss:$0x1], $0xffff;
	_ =	sdelay $0x5  }
0x5e: {  	v3 =	vadd.f32 v4, v3;
	_ =	sdelay $0x1  }
0x5f: {  	[tilespmem:v2+s23+$0xFFFFFFC0 ss:$0x1] =	vst.idx.msk $0xffff, v3  }
0x60: {  	v3 =	vld.idx.msk [tilespmem:v0+s23+$0x0 ss:$0x1], $0xffff  }
0x61: {  	v4 =	vld.idx.msk [tilespmem:v1+s23+$0xFFFFFFD0 ss:$0x1], $0xffff;
	_ =	sdelay $0x5  }
0x62: {  	v3 =	vadd.f32 v4, v3;
	_ =	sdelay $0x1  }
0x63: {  	[tilespmem:v2+s23+$0xFFFFFFD0 ss:$0x1] =	vst.idx.msk $0xffff, v3  }
0x64: {  	v3 =	vld.idx.msk [tilespmem:v0+s23+$0x10 ss:$0x1], $0xffff  }
0x65: {  	v4 =	vld.idx.msk [tilespmem:v1+s23+$0xFFFFFFE0 ss:$0x1], $0xffff;
	_ =	sdelay $0x5  }
0x66: {  	v3 =	vadd.f32 v4, v3;
	_ =	sdelay $0x1  }
0x67: {  	[tilespmem:v2+s23+$0xFFFFFFE0 ss:$0x1] =	vst.idx.msk $0xffff, v3  }
0x68: {  	v3 =	vld.idx.msk [tilespmem:v0+s23+$0x20 ss:$0x1], $0xffff  }
0x69: {  	v4 =	vld.idx.msk [tilespmem:v1+s23+$0xFFFFFFF0 ss:$0x1], $0xffff;
	_ =	sdelay $0x4  }
.Ltmp0:
0x6a: {  	(pc) =	sbr.rel @p1 .LBB2_3-.Ltmp0, $3  }
0x6b: {  	v3 =	vadd.f32 v4, v3;
	_ =	sdelay $0x1  }
0x6c: {  	[tilespmem:v2+s23+$0xFFFFFFF0 ss:$0x1] =	vst.idx.msk $0xffff, v3  }
0x6d: {  	v3 =	vld.idx.msk [tilespmem:v0+s23+$0x30 ss:$0x1], $0xffff  }
0x6e: {  	_ =	sdelay $0x3  }
0x6f: {  	v0 =	vld.idx.msk [tilespmem:v1+s23+$0x0 ss:$0x1], $0xffff;
	_ =	sdelay $0x3  }
0x70: {  	p1 =	sne.s32 s21, s20  }
0x71: {  	p0 =	por p0, p1;
	v0 =	vadd.f32 v0, v3  }
0x72: {  	s21 =	sshll.u32 @p0 s21, $0x11  }
0x73: {  	p1 =	seq.s32 s19, $0x0;
	s22 =	sadd.s32 @p0 $0x5, s22;
	s21 =	sor.u32 @p0 s5, s21;
	[tilespmem:v2+s23+$0x0 ss:$0x1] =	vst.idx.msk $0xffff, v0  }
0x74: {  	s26 =	simm.s32 @p0 $0x8000;
	s21 =	sshrl.u32 @p0 s21, $0x3;
	_ =	strace $0x9000004D  }
0x75: {  	s21 =	sadd.s32 @p0 s2, s21;
	s23 =	simm.s32 @p0 $0x400;
	_ =	strace @p0 $0x8000004E  }
0x76: {  	[hbm4b:s21+s23] =	stream.strided.scatter @p0 [tilespmem:s25], [sflag:s22], $0x1000, s26, s23, $0x200038;
	[tilespmem:$0x6000] =	vst v63  }
0x77: {  	s21 =	sand.u32 @!p1 $0x1, s13;
	_ =	strace @p0 $0x9000004E  }
0x78: {  	s21 =	sadd.s32 @!p1 $0x5, s21;
	_ =	strace @!p1 $0x8000004F  }
0x79: {  	s22 =	simm.s32 $0x1;
	_ =	swait.ge @!p1 [sflag:s21], $0x1000  }
0x7a: {  	s22 =	simm.s32 @!p0 $0x0;
	p0 =	sne.s32 s19, $0x0;
	[sflag:s21] =	ssyncset.done @!p1 $0x0  }
0x7b: {  	s19 =	sadd.s32 $0x1, s19;
	[sflag:s21] =	ssyncadd.s32 @!p1 $0xFFFFF000;
	s21 =	simm.s32 $0x1  }
0x7c: {  	s21 =	simm.s32 @!p0 $0x0;
	p0 =	sne.s32 s19, $0x190  }
.Ltmp1:
0x7d: {  	_ = 	snop;
	(pc) =	sbr.rel @p0 .LBB2_2-.Ltmp1, $4  }
0x7e: {  	_ = 	snop  }
0x7f: {  	s16 =	sadd.s32 s16, s24  }
0x80: {  	s14 =	sadd.s32 s22, s14;
	s17 =	sadd.s32 s22, s17;
	s15 =	sadd.s32 s22, s15  }
0x81: {  	_ =	strace @!p1 $0x9000004F;
	s13 =	sadd.s32 s21, s13;
	s21 =	smov.u32 s20  }
0x82: {  	s12 =	sadd.s32 $0x1, s12  }
0x83: {  	s13 =	sand.u32 $0x1, s13;
	p0 =	sne.s32 s12, s8  }
.Ltmp2:
0x84: {  	_ =	strace $0x80000050;
	s13 =	sadd.s32 $0x5, s13;
	(pc) =	sbr.rel @p0 .LBB2_1-.Ltmp2, $4  }
0x85: {  	_ =	swait.ge [sflag:s13], $0x1000  }
0x86: {  	[sflag:s13] =	ssyncset.done $0x0  }
0x87: {  	[sflag:s13] =	ssyncadd.s32 $0xFFFFF000  }
0x88: {  	_ =	strace $0x90000050  }
0x89: {  	_ =	sfence.sel $0x180000  }
0x8a: {  	[bflag:$0x0] =	sbarrier.arrive $0xFFFF  }
0x8b: {  	p0 =	sne.s32 s3, $0x0;
	_ =	strace $0x90000047  }
0x8c: {  	s0 =	sadd.s32 @!p0 $0x100000, s0;
	[bflag:$0x2] =	sbarrier.arrive $0xFFFF  }
0x8d: {  	[sflag:s0] =	ssyncadd.tile.s32 @!p0 $0x1;
	_ =	shalt  }
.Lfunc_end2:
_tile_overlayer_lowered:
.L_overlay_start_2:
0x8e: {  	(tag) =	ssettag $0x2  }
0x8f: {  	s0 =	rddreg [dreg:$0x0];
	s2 =	stileid.u32  }
0x90: {  	s1 =	rddreg [dreg:$0x1];
	p0 =	sne.s32 s2, $0x0  }
0x91: {  	s3 =	rddreg [dreg:$0x2];
	[bflag:$0x3] =	sbarrier.arrive $0xFFFF;
	s2 =	simm.s32 @!p0 $0x1C01  }
0x92: {  	[timem:s3], [sflag:s2] =	dma.local @!p0 [hbm:s0], s1  }
0x93: {  	s0 =	simm.s32 @!p0 $0x1  }
0x94: {  	_ =	swait.ge @!p0 [sflag:s0], s1  }
0x95: {  	s1 =	ssub.s32 @!p0 $0x0, s1;
	[sflag:s0] =	ssyncset.done @!p0 $0x0  }
0x96: {  	[sflag:s0] =	ssyncadd.s32 @!p0 s1  }
0x97: {  	[bflag:$0x3] =	sbarrier.arrive $0xFFFF  }
0x98: {  	_ =	shalt  }

</sc_bundles>
